<compile_context>
chip_gen: v7x
topology: tpu7x:2x2x1
jax: 0.10.2.dev20260603
libtpu: 0.0.44.dev20260713+nightly
codegen_flags: <defaults>
</compile_context>

<pallas_src>
import jax
import jax.numpy as jnp
from jax import lax
from jax.experimental import pallas as pl
from jax.experimental.pallas import tpu as pltpu
from jax.experimental.pallas import tpu_sc as plsc

_N = 10000
_E = 320000
_D = 128

_NC = 2
_NS = 16
_NW = _NC * _NS

_EPW = _E // _NW
_CH = 128
_CPB = 8
_NBLK = 10
_NCHUNK = _CPB * _NBLK
_EPW_PAD = _NCHUNK * _CH

_AGG_ROWS = 10112
_ZROWS = _AGG_ROWS // _NS
_TRASH = _N
_DEG_LEN = 10112


def _mm_t(a, b):
    return lax.dot_general(a, b, (((1,), (1,)), ((), ())),
                           preferred_element_type=jnp.float32,
                           precision=lax.Precision.HIGHEST)



def _msg_body(x_ref, w_ref, b_ref, o_ref):
    o_ref[...] = jnp.maximum(_mm_t(x_ref[...], w_ref[...]) + b_ref[...], 0.0)


def _compute_messages(x, w_c, b_c):
    blk = 1000
    grid = _N // blk
    return pl.pallas_call(
        _msg_body,
        grid=(grid,),
        in_specs=[
            pl.BlockSpec((blk, _D), lambda i: (i, 0)),
            pl.BlockSpec((_D, _D), lambda i: (0, 0)),
            pl.BlockSpec((1, _D), lambda i: (0, 0)),
        ],
        out_specs=pl.BlockSpec((blk, _D), lambda i: (i, 0)),
        out_shape=jax.ShapeDtypeStruct((_N, _D), jnp.float32),
    )(x, w_c, b_c.reshape(1, _D))



def _sc_body(m_hbm, src_hbm, dst_hbm,
             agg_out, deg_out,
             src_v, dst_v, rows_v, deg_v,
             agg_sh,
             sem0, sem1, sem_s):
    c = lax.axis_index("c")
    s = lax.axis_index("s")
    w = c * _NS + s

    pltpu.async_copy(src_hbm.at[w].at[0], src_v.at[0], sem_s)
    pltpu.async_copy(dst_hbm.at[w].at[0], dst_v.at[0], sem_s)
    pltpu.async_copy(src_hbm.at[w].at[1], src_v.at[1], sem_s)
    pltpu.async_copy(dst_hbm.at[w].at[1], dst_v.at[1], sem_s)

    def _zrow(i, _):
        rows_v[0, i // 8, pl.ds((i % 8) * 16, 16)] = jnp.zeros((16,), jnp.float32)
        return 0
    lax.fori_loop(0, _CH * 8, _zrow, 0)
    for k in range(4):
        pltpu.sync_copy(rows_v.at[0], agg_sh.at[pl.ds(s * _ZROWS + k * _CH, _CH)])
    pltpu.sync_copy(rows_v.at[0].at[pl.ds(0, _ZROWS - 4 * _CH)],
                    agg_sh.at[pl.ds(s * _ZROWS + 4 * _CH, _ZROWS - 4 * _CH)])

    def _zdeg(i, _):
        deg_v[pl.ds(i * 16, 16)] = jnp.zeros((16,), jnp.float32)
        return 0
    lax.fori_loop(0, _DEG_LEN // 16, _zdeg, 0)

    plsc.subcore_barrier()

    ones16 = jnp.ones((16,), jnp.float32)

    pltpu.make_async_copy(src_hbm.at[w].at[0], src_v.at[0], sem_s).wait()
    pltpu.make_async_copy(dst_hbm.at[w].at[0], dst_v.at[0], sem_s).wait()
    pltpu.async_copy(m_hbm.at[src_v.at[0].at[0]], rows_v.at[0], sem0)
    pltpu.async_copy(m_hbm.at[src_v.at[0].at[1]], rows_v.at[1], sem1)

    def _block(b, _):
        p = b % 2
        q = 1 - p

        def _deg_chunk(j, _):
            for r in range(_CH // 16):
                idx = dst_v[p, j, pl.ds(r * 16, 16)]
                plsc.addupdate_scatter(deg_v, [idx], ones16)
            return 0
        lax.fori_loop(0, _CPB, _deg_chunk, 0)

        for i in range(_CPB // 2 - 1):
            l0 = 2 * i
            pltpu.make_async_copy(m_hbm.at[src_v.at[p].at[l0]], rows_v.at[0], sem0).wait()
            pltpu.sync_copy(rows_v.at[0], agg_sh.at[dst_v.at[p].at[l0]], add=True)
            pltpu.async_copy(m_hbm.at[src_v.at[p].at[l0 + 2]], rows_v.at[0], sem0)

            l1 = l0 + 1
            pltpu.make_async_copy(m_hbm.at[src_v.at[p].at[l1]], rows_v.at[1], sem1).wait()
            pltpu.sync_copy(rows_v.at[1], agg_sh.at[dst_v.at[p].at[l1]], add=True)
            pltpu.async_copy(m_hbm.at[src_v.at[p].at[l1 + 2]], rows_v.at[1], sem1)

        lt = _CPB - 2
        pltpu.make_async_copy(m_hbm.at[src_v.at[p].at[lt]], rows_v.at[0], sem0).wait()
        pltpu.sync_copy(rows_v.at[0], agg_sh.at[dst_v.at[p].at[lt]], add=True)

        @pl.when(b < _NBLK - 1)
        def _():
            pltpu.make_async_copy(src_hbm.at[w].at[b + 1], src_v.at[q], sem_s).wait()
            pltpu.make_async_copy(dst_hbm.at[w].at[b + 1], dst_v.at[q], sem_s).wait()
            pltpu.async_copy(m_hbm.at[src_v.at[q].at[0]], rows_v.at[0], sem0)

        pltpu.make_async_copy(m_hbm.at[src_v.at[p].at[lt + 1]], rows_v.at[1], sem1).wait()
        pltpu.sync_copy(rows_v.at[1], agg_sh.at[dst_v.at[p].at[lt + 1]], add=True)

        @pl.when(b < _NBLK - 1)
        def _():
            pltpu.async_copy(m_hbm.at[src_v.at[q].at[1]], rows_v.at[1], sem1)

        @pl.when(b < _NBLK - 2)
        def _():
            pltpu.async_copy(src_hbm.at[w].at[b + 2], src_v.at[p], sem_s)
            pltpu.async_copy(dst_hbm.at[w].at[b + 2], dst_v.at[p], sem_s)
        return 0

    lax.fori_loop(0, _NBLK, _block, 0)

    plsc.subcore_barrier()
    pltpu.sync_copy(agg_sh.at[pl.ds(s * _ZROWS, _ZROWS)],
                    agg_out.at[c, pl.ds(s * _ZROWS, _ZROWS)])
    pltpu.sync_copy(deg_v, deg_out.at[w])


def _sc_reduce(m, src_p, dst_p):
    mesh = plsc.VectorSubcoreMesh(core_axis_name="c", subcore_axis_name="s")
    kern = pl.kernel(
        _sc_body,
        out_type=[
            jax.ShapeDtypeStruct((_NC, _AGG_ROWS, _D), jnp.float32),
            jax.ShapeDtypeStruct((_NW, _DEG_LEN), jnp.float32),
        ],
        mesh=mesh,
        compiler_params=pltpu.CompilerParams(needs_layout_passes=False),
        scratch_types=[
            pltpu.VMEM((2, _CPB, _CH), jnp.int32),
            pltpu.VMEM((2, _CPB, _CH), jnp.int32),
            pltpu.VMEM((2, _CH, _D), jnp.float32),
            pltpu.VMEM((_DEG_LEN,), jnp.float32),
            pltpu.VMEM_SHARED((_AGG_ROWS, _D), jnp.float32),
            pltpu.SemaphoreType.DMA,
            pltpu.SemaphoreType.DMA,
            pltpu.SemaphoreType.DMA,
        ],
    )
    return kern(m, src_p, dst_p)



def _fin_body(a0_ref, a1_ref, degp_ref, x_ref, w_ref, b_ref, o_ref):
    deg = jnp.sum(degp_ref[...], axis=1)
    agg = a0_ref[0] + a1_ref[0]
    feats = jnp.where((deg > 0.0)[:, None], agg, x_ref[...])
    o_ref[...] = _mm_t(feats, w_ref[...]) + b_ref[...]


def _finalize(agg_p, deg_p, x, w_f, b_f):
    blk = 1000
    grid = _N // blk
    return pl.pallas_call(
        _fin_body,
        grid=(grid,),
        in_specs=[
            pl.BlockSpec((1, blk, _D), lambda i: (0, i, 0)),
            pl.BlockSpec((1, blk, _D), lambda i: (1, i, 0)),
            pl.BlockSpec((blk, _NW), lambda i: (i, 0)),
            pl.BlockSpec((blk, _D), lambda i: (i, 0)),
            pl.BlockSpec((_D, _D), lambda i: (0, 0)),
            pl.BlockSpec((1, _D), lambda i: (0, 0)),
        ],
        out_specs=pl.BlockSpec((blk, _D), lambda i: (i, 0)),
        out_shape=jax.ShapeDtypeStruct((_N, _D), jnp.float32),
    )(agg_p, agg_p, deg_p, x, w_f, b_f.reshape(1, _D))



@jax.jit
def kernel(node_feats, edge_index, W_c, b_c, W_f, b_f):
    m = _compute_messages(node_feats, W_c, b_c)

    pad = _EPW_PAD - _EPW
    src = edge_index[0].reshape(_NW, _EPW)
    dst = edge_index[1].reshape(_NW, _EPW)
    src_p = jnp.pad(src, ((0, 0), (0, pad))).reshape(_NW, _NBLK, _CPB, _CH)
    dst_p = jnp.pad(dst, ((0, 0), (0, pad)),
                    constant_values=_TRASH).reshape(_NW, _NBLK, _CPB, _CH)

    agg_p, deg_p = _sc_reduce(m, src_p, dst_p)
    return _finalize(agg_p, deg_p.T[:_N], node_feats, W_f, b_f)

# --- scband reference (transcript-rebuilt; emitter-appended) ---
"""Pipeline reference for scband-mplayer-22746146799734 (READ-ONLY COPY).

The authoritative reference and input builder live on the scoring server;
editing this copy changes nothing except your own understanding.
"""

import jax, jax.numpy as jnp
import numpy as np

N = 10000
E = 320000
D_IN = 128
D_OUT = 128


def setup_inputs(seed: int = 0) -> dict:
    key = jax.random.key(seed)
    k1, k2, k3, k4, k5, k6 = jax.random.split(key, 6)
    node_feats = jax.random.normal(k1, (N, D_IN), dtype=jnp.float32)
    edge_index = jax.random.randint(k2, (2, E), 0, N, dtype=jnp.int32)
    s = 1.0 / np.sqrt(D_IN)
    W_c = jax.random.uniform(k3, (D_IN, D_IN), dtype=jnp.float32, minval=-s, maxval=s)
    b_c = jax.random.uniform(k4, (D_IN,), dtype=jnp.float32, minval=-s, maxval=s)
    W_f = jax.random.uniform(k5, (D_OUT, D_IN), dtype=jnp.float32, minval=-s, maxval=s)
    b_f = jax.random.uniform(k6, (D_OUT,), dtype=jnp.float32, minval=-s, maxval=s)
    return {"node_feats": node_feats, "edge_index": edge_index,
            "W_c": W_c, "b_c": b_c, "W_f": W_f, "b_f": b_f}


def reference(node_feats, edge_index, W_c, b_c, W_f, b_f):
    # message(edges): relu(computeLayer(edges.src['features']))
    # The linear layer acts row-wise on src features, so computing it once per
    # node and gathering per edge is mathematically identical to per-edge compute.
    src = edge_index[0]
    dst = edge_index[1]
    m = jax.nn.relu(node_feats @ W_c.T + b_c)          # [N, D_IN]
    msgs = jnp.take(m, src, axis=0)                    # gather -> [E, D_IN]
    agg = jax.ops.segment_sum(msgs, dst, num_segments=N)  # scatter-add reduce
    # DGL recv semantics: nodes with no incoming messages keep original features
    deg = jax.ops.segment_sum(jnp.ones((E,), dtype=node_feats.dtype), dst, num_segments=N)
    feats = jnp.where((deg > 0)[:, None], agg, node_feats)
    out = feats @ W_f.T + b_f                          # finalTransformation
    return out

if __name__ == "__main__":
    import jax
    _d = setup_inputs()
    print(jax.jit(kernel)(*tuple(_d.values())))

</pallas_src>

<mosaic_0001>
#map = affine_map<(d0, d1) -> (0, 0)>
#map1 = affine_map<(d0, d1) -> (0, 0, 0, 0)>
#map2 = affine_map<(d0, d1) -> (0, 0, 0)>
module attributes {stable_mosaic.version = 14 : i64} {
  func.func @_sc_body(%arg0: i32, %arg1: i32, %arg2: memref<10000x128xf32, #tpu.memory_space<hbm>>, %arg3: memref<32x10x8x128xi32, #tpu.memory_space<hbm>>, %arg4: memref<32x10x8x128xi32, #tpu.memory_space<hbm>>, %arg5: memref<2x10112x128xf32, #tpu.memory_space<hbm>>, %arg6: memref<32x10112xf32, #tpu.memory_space<hbm>>, %arg7: memref<2x8x128xi32, #tpu.memory_space<vmem>>, %arg8: memref<2x8x128xi32, #tpu.memory_space<vmem>>, %arg9: memref<2x128x128xf32, #tpu.memory_space<vmem>>, %arg10: memref<10112xf32, #tpu.memory_space<vmem>>, %arg11: memref<10112x128xf32, #tpu.memory_space<vmem_shared>>, %arg12: memref<!tpu.dma_semaphore, #tpu.memory_space<semaphore_mem>>, %arg13: memref<!tpu.dma_semaphore, #tpu.memory_space<semaphore_mem>>, %arg14: memref<!tpu.dma_semaphore, #tpu.memory_space<semaphore_mem>>) attributes {dimension_semantics = [#tpu.dimension_semantics<core_parallel>, #tpu.dimension_semantics<subcore_parallel>], iteration_bounds = array<i64: 2, 16>, scalar_prefetch = 0 : i64, scratch_operands = 8 : i64, tpu.core_type = #tpu.core_type<sc_vector_subcore>, window_params = [{transform_indices = #map}, {transform_indices = #map1}, {transform_indices = #map1}, {transform_indices = #map2}, {transform_indices = #map}]} {
    %mul3A = arith.constant 16 : i32
    %mul3A_0 = arith.muli %arg0, %mul3A : i32
    %add3A = arith.addi %mul3A_0, %arg1 : i32
    %dma_start3A = arith.constant 0 : i32
    %dma_start3A_1 = arith.constant 0 : i32
    %dma_start3A_2 = arith.constant 0 : i32
    %dma_start3A_3 = arith.constant 0 : i32
    %dma_start3A_4 = tpu.memref_slice %arg7[%dma_start3A_1, %dma_start3A_2, %dma_start3A_3] : memref<2x8x128xi32, #tpu.memory_space<vmem>> -> memref<1x8x128xi32, #tpu.memory_space<vmem>>
    %dma_start3A_5 = tpu.memref_squeeze %dma_start3A_4 : memref<1x8x128xi32, #tpu.memory_space<vmem>> -> memref<8x128xi32, #tpu.memory_space<vmem>>
    %dma_start3A_6 = arith.constant 0 : i32
    %dma_start3A_7 = arith.constant 0 : i32
    %dma_start3A_8 = arith.constant 0 : i32
    %dma_start3A_9 = tpu.memref_slice %arg3[%add3A, %dma_start3A_6, %dma_start3A_7, %dma_start3A_8] : memref<32x10x8x128xi32, #tpu.memory_space<hbm>> -> memref<1x10x8x128xi32, #tpu.memory_space<hbm>>
    %dma_start3A_10 = tpu.memref_squeeze %dma_start3A_9 : memref<1x10x8x128xi32, #tpu.memory_space<hbm>> -> memref<10x8x128xi32, #tpu.memory_space<hbm>>
    %dma_start3A_11 = arith.constant 0 : i32
    %dma_start3A_12 = arith.constant 0 : i32
    %dma_start3A_13 = tpu.memref_slice %dma_start3A_10[%dma_start3A, %dma_start3A_11, %dma_start3A_12] : memref<10x8x128xi32, #tpu.memory_space<hbm>> -> memref<1x8x128xi32, #tpu.memory_space<hbm>>
    %dma_start3A_14 = tpu.memref_squeeze %dma_start3A_13 : memref<1x8x128xi32, #tpu.memory_space<hbm>> -> memref<8x128xi32, #tpu.memory_space<hbm>>
    %dma_start3A_15 = arith.constant 0 : i32
    %dma_start3A_16 = arith.constant 0 : i32
    %dma_start3A_17 = tpu.memref_slice %arg7[%dma_start3A_1, %dma_start3A_15, %dma_start3A_16] : memref<2x8x128xi32, #tpu.memory_space<vmem>> -> memref<1x8x128xi32, #tpu.memory_space<vmem>>
    %dma_start3A_18 = tpu.memref_squeeze %dma_start3A_17 : memref<1x8x128xi32, #tpu.memory_space<vmem>> -> memref<8x128xi32, #tpu.memory_space<vmem>>
    %dma_start3A_19 = arith.constant 0 : i32
    %dma_start3A_20 = arith.constant 0 : i32
    %dma_start3A_21 = arith.constant 0 : i32
    %dma_start3A_22 = tpu.memref_slice %arg3[%add3A, %dma_start3A_19, %dma_start3A_20, %dma_start3A_21] : memref<32x10x8x128xi32, #tpu.memory_space<hbm>> -> memref<1x10x8x128xi32, #tpu.memory_space<hbm>>
    %dma_start3A_23 = tpu.memref_squeeze %dma_start3A_22 : memref<1x10x8x128xi32, #tpu.memory_space<hbm>> -> memref<10x8x128xi32, #tpu.memory_space<hbm>>
    %dma_start3A_24 = arith.constant 0 : i32
    %dma_start3A_25 = arith.constant 0 : i32
    %dma_start3A_26 = tpu.memref_slice %dma_start3A_23[%dma_start3A, %dma_start3A_24, %dma_start3A_25] : memref<10x8x128xi32, #tpu.memory_space<hbm>> -> memref<1x8x128xi32, #tpu.memory_space<hbm>>
    %dma_start3A_27 = tpu.memref_squeeze %dma_start3A_26 : memref<1x8x128xi32, #tpu.memory_space<hbm>> -> memref<8x128xi32, #tpu.memory_space<hbm>>
    tpu.enqueue_dma source(%dma_start3A_27 : memref<8x128xi32, #tpu.memory_space<hbm>>) target(%dma_start3A_18 : memref<8x128xi32, #tpu.memory_space<vmem>>) target_semaphore(%arg14 : memref<!tpu.dma_semaphore, #tpu.memory_space<semaphore_mem>>)
    %dma_start3A_28 = arith.constant 0 : i32
    %dma_start3A_29 = arith.constant 0 : i32
    %dma_start3A_30 = arith.constant 0 : i32
    %dma_start3A_31 = arith.constant 0 : i32
    %dma_start3A_32 = tpu.memref_slice %arg8[%dma_start3A_29, %dma_start3A_30, %dma_start3A_31] : memref<2x8x128xi32, #tpu.memory_space<vmem>> -> memref<1x8x128xi32, #tpu.memory_space<vmem>>
    %dma_start3A_33 = tpu.memref_squeeze %dma_start3A_32 : memref<1x8x128xi32, #tpu.memory_space<vmem>> -> memref<8x128xi32, #tpu.memory_space<vmem>>
    %dma_start3A_34 = arith.constant 0 : i32
    %dma_start3A_35 = arith.constant 0 : i32
    %dma_start3A_36 = arith.constant 0 : i32
    %dma_start3A_37 = tpu.memref_slice %arg4[%add3A, %dma_start3A_34, %dma_start3A_35, %dma_start3A_36] : memref<32x10x8x128xi32, #tpu.memory_space<hbm>> -> memref<1x10x8x128xi32, #tpu.memory_space<hbm>>
    %dma_start3A_38 = tpu.memref_squeeze %dma_start3A_37 : memref<1x10x8x128xi32, #tpu.memory_space<hbm>> -> memref<10x8x128xi32, #tpu.memory_space<hbm>>
    %dma_start3A_39 = arith.constant 0 : i32
    %dma_start3A_40 = arith.constant 0 : i32
    %dma_start3A_41 = tpu.memref_slice %dma_start3A_38[%dma_start3A_28, %dma_start3A_39, %dma_start3A_40] : memref<10x8x128xi32, #tpu.memory_space<hbm>> -> memref<1x8x128xi32, #tpu.memory_space<hbm>>
    %dma_start3A_42 = tpu.memref_squeeze %dma_start3A_41 : memref<1x8x128xi32, #tpu.memory_space<hbm>> -> memref<8x128xi32, #tpu.memory_space<hbm>>
    %dma_start3A_43 = arith.constant 0 : i32
    %dma_start3A_44 = arith.constant 0 : i32
    %dma_start3A_45 = tpu.memref_slice %arg8[%dma_start3A_29, %dma_start3A_43, %dma_start3A_44] : memref<2x8x128xi32, #tpu.memory_space<vmem>> -> memref<1x8x128xi32, #tpu.memory_space<vmem>>
    %dma_start3A_46 = tpu.memref_squeeze %dma_start3A_45 : memref<1x8x128xi32, #tpu.memory_space<vmem>> -> memref<8x128xi32, #tpu.memory_space<vmem>>
    %dma_start3A_47 = arith.constant 0 : i32
    %dma_start3A_48 = arith.constant 0 : i32
    %dma_start3A_49 = arith.constant 0 : i32
    %dma_start3A_50 = tpu.memref_slice %arg4[%add3A, %dma_start3A_47, %dma_start3A_48, %dma_start3A_49] : memref<32x10x8x128xi32, #tpu.memory_space<hbm>> -> memref<1x10x8x128xi32, #tpu.memory_space<hbm>>
    %dma_start3A_51 = tpu.memref_squeeze %dma_start3A_50 : memref<1x10x8x128xi32, #tpu.memory_space<hbm>> -> memref<10x8x128xi32, #tpu.memory_space<hbm>>
    %dma_start3A_52 = arith.constant 0 : i32
    %dma_start3A_53 = arith.constant 0 : i32
    %dma_start3A_54 = tpu.memref_slice %dma_start3A_51[%dma_start3A_28, %dma_start3A_52, %dma_start3A_53] : memref<10x8x128xi32, #tpu.memory_space<hbm>> -> memref<1x8x128xi32, #tpu.memory_space<hbm>>
    %dma_start3A_55 = tpu.memref_squeeze %dma_start3A_54 : memref<1x8x128xi32, #tpu.memory_space<hbm>> -> memref<8x128xi32, #tpu.memory_space<hbm>>
    tpu.enqueue_dma source(%dma_start3A_55 : memref<8x128xi32, #tpu.memory_space<hbm>>) target(%dma_start3A_46 : memref<8x128xi32, #tpu.memory_space<vmem>>) target_semaphore(%arg14 : memref<!tpu.dma_semaphore, #tpu.memory_space<semaphore_mem>>)
    %dma_start3A_56 = arith.constant 1 : i32
    %dma_start3A_57 = arith.constant 1 : i32
    %dma_start3A_58 = arith.constant 0 : i32
    %dma_start3A_59 = arith.constant 0 : i32
    %dma_start3A_60 = tpu.memref_slice %arg7[%dma_start3A_57, %dma_start3A_58, %dma_start3A_59] : memref<2x8x128xi32, #tpu.memory_space<vmem>> -> memref<1x8x128xi32, #tpu.memory_space<vmem>>
    %dma_start3A_61 = tpu.memref_squeeze %dma_start3A_60 : memref<1x8x128xi32, #tpu.memory_space<vmem>> -> memref<8x128xi32, #tpu.memory_space<vmem>>
    %dma_start3A_62 = arith.constant 0 : i32
    %dma_start3A_63 = arith.constant 0 : i32
    %dma_start3A_64 = arith.constant 0 : i32
    %dma_start3A_65 = tpu.memref_slice %arg3[%add3A, %dma_start3A_62, %dma_start3A_63, %dma_start3A_64] : memref<32x10x8x128xi32, #tpu.memory_space<hbm>> -> memref<1x10x8x128xi32, #tpu.memory_space<hbm>>
    %dma_start3A_66 = tpu.memref_squeeze %dma_start3A_65 : memref<1x10x8x128xi32, #tpu.memory_space<hbm>> -> memref<10x8x128xi32, #tpu.memory_space<hbm>>
    %dma_start3A_67 = arith.constant 0 : i32
    %dma_start3A_68 = arith.constant 0 : i32
    %dma_start3A_69 = tpu.memref_slice %dma_start3A_66[%dma_start3A_56, %dma_start3A_67, %dma_start3A_68] : memref<10x8x128xi32, #tpu.memory_space<hbm>> -> memref<1x8x128xi32, #tpu.memory_space<hbm>>
    %dma_start3A_70 = tpu.memref_squeeze %dma_start3A_69 : memref<1x8x128xi32, #tpu.memory_space<hbm>> -> memref<8x128xi32, #tpu.memory_space<hbm>>
    %dma_start3A_71 = arith.constant 0 : i32
    %dma_start3A_72 = arith.constant 0 : i32
    %dma_start3A_73 = tpu.memref_slice %arg7[%dma_start3A_57, %dma_start3A_71, %dma_start3A_72] : memref<2x8x128xi32, #tpu.memory_space<vmem>> -> memref<1x8x128xi32, #tpu.memory_space<vmem>>
    %dma_start3A_74 = tpu.memref_squeeze %dma_start3A_73 : memref<1x8x128xi32, #tpu.memory_space<vmem>> -> memref<8x128xi32, #tpu.memory_space<vmem>>
    %dma_start3A_75 = arith.constant 0 : i32
    %dma_start3A_76 = arith.constant 0 : i32
    %dma_start3A_77 = arith.constant 0 : i32
    %dma_start3A_78 = tpu.memref_slice %arg3[%add3A, %dma_start3A_75, %dma_start3A_76, %dma_start3A_77] : memref<32x10x8x128xi32, #tpu.memory_space<hbm>> -> memref<1x10x8x128xi32, #tpu.memory_space<hbm>>
    %dma_start3A_79 = tpu.memref_squeeze %dma_start3A_78 : memref<1x10x8x128xi32, #tpu.memory_space<hbm>> -> memref<10x8x128xi32, #tpu.memory_space<hbm>>
    %dma_start3A_80 = arith.constant 0 : i32
    %dma_start3A_81 = arith.constant 0 : i32
    %dma_start3A_82 = tpu.memref_slice %dma_start3A_79[%dma_start3A_56, %dma_start3A_80, %dma_start3A_81] : memref<10x8x128xi32, #tpu.memory_space<hbm>> -> memref<1x8x128xi32, #tpu.memory_space<hbm>>
    %dma_start3A_83 = tpu.memref_squeeze %dma_start3A_82 : memref<1x8x128xi32, #tpu.memory_space<hbm>> -> memref<8x128xi32, #tpu.memory_space<hbm>>
    tpu.enqueue_dma source(%dma_start3A_83 : memref<8x128xi32, #tpu.memory_space<hbm>>) target(%dma_start3A_74 : memref<8x128xi32, #tpu.memory_space<vmem>>) target_semaphore(%arg14 : memref<!tpu.dma_semaphore, #tpu.memory_space<semaphore_mem>>)
    %dma_start3A_84 = arith.constant 1 : i32
    %dma_start3A_85 = arith.constant 1 : i32
    %dma_start3A_86 = arith.constant 0 : i32
    %dma_start3A_87 = arith.constant 0 : i32
    %dma_start3A_88 = tpu.memref_slice %arg8[%dma_start3A_85, %dma_start3A_86, %dma_start3A_87] : memref<2x8x128xi32, #tpu.memory_space<vmem>> -> memref<1x8x128xi32, #tpu.memory_space<vmem>>
    %dma_start3A_89 = tpu.memref_squeeze %dma_start3A_88 : memref<1x8x128xi32, #tpu.memory_space<vmem>> -> memref<8x128xi32, #tpu.memory_space<vmem>>
    %dma_start3A_90 = arith.constant 0 : i32
    %dma_start3A_91 = arith.constant 0 : i32
    %dma_start3A_92 = arith.constant 0 : i32
    %dma_start3A_93 = tpu.memref_slice %arg4[%add3A, %dma_start3A_90, %dma_start3A_91, %dma_start3A_92] : memref<32x10x8x128xi32, #tpu.memory_space<hbm>> -> memref<1x10x8x128xi32, #tpu.memory_space<hbm>>
    %dma_start3A_94 = tpu.memref_squeeze %dma_start3A_93 : memref<1x10x8x128xi32, #tpu.memory_space<hbm>> -> memref<10x8x128xi32, #tpu.memory_space<hbm>>
    %dma_start3A_95 = arith.constant 0 : i32
    %dma_start3A_96 = arith.constant 0 : i32
    %dma_start3A_97 = tpu.memref_slice %dma_start3A_94[%dma_start3A_84, %dma_start3A_95, %dma_start3A_96] : memref<10x8x128xi32, #tpu.memory_space<hbm>> -> memref<1x8x128xi32, #tpu.memory_space<hbm>>
    %dma_start3A_98 = tpu.memref_squeeze %dma_start3A_97 : memref<1x8x128xi32, #tpu.memory_space<hbm>> -> memref<8x128xi32, #tpu.memory_space<hbm>>
    %dma_start3A_99 = arith.constant 0 : i32
    %dma_start3A_100 = arith.constant 0 : i32
    %dma_start3A_101 = tpu.memref_slice %arg8[%dma_start3A_85, %dma_start3A_99, %dma_start3A_100] : memref<2x8x128xi32, #tpu.memory_space<vmem>> -> memref<1x8x128xi32, #tpu.memory_space<vmem>>
    %dma_start3A_102 = tpu.memref_squeeze %dma_start3A_101 : memref<1x8x128xi32, #tpu.memory_space<vmem>> -> memref<8x128xi32, #tpu.memory_space<vmem>>
    %dma_start3A_103 = arith.constant 0 : i32
    %dma_start3A_104 = arith.constant 0 : i32
    %dma_start3A_105 = arith.constant 0 : i32
    %dma_start3A_106 = tpu.memref_slice %arg4[%add3A, %dma_start3A_103, %dma_start3A_104, %dma_start3A_105] : memref<32x10x8x128xi32, #tpu.memory_space<hbm>> -> memref<1x10x8x128xi32, #tpu.memory_space<hbm>>
    %dma_start3A_107 = tpu.memref_squeeze %dma_start3A_106 : memref<1x10x8x128xi32, #tpu.memory_space<hbm>> -> memref<10x8x128xi32, #tpu.memory_space<hbm>>
    %dma_start3A_108 = arith.constant 0 : i32
    %dma_start3A_109 = arith.constant 0 : i32
    %dma_start3A_110 = tpu.memref_slice %dma_start3A_107[%dma_start3A_84, %dma_start3A_108, %dma_start3A_109] : memref<10x8x128xi32, #tpu.memory_space<hbm>> -> memref<1x8x128xi32, #tpu.memory_space<hbm>>
    %dma_start3A_111 = tpu.memref_squeeze %dma_start3A_110 : memref<1x8x128xi32, #tpu.memory_space<hbm>> -> memref<8x128xi32, #tpu.memory_space<hbm>>
    tpu.enqueue_dma source(%dma_start3A_111 : memref<8x128xi32, #tpu.memory_space<hbm>>) target(%dma_start3A_102 : memref<8x128xi32, #tpu.memory_space<vmem>>) target_semaphore(%arg14 : memref<!tpu.dma_semaphore, #tpu.memory_space<semaphore_mem>>)
    %scan3A = arith.constant 0 : i32
    %scan3A_112 = arith.constant 0 : i32
    %scan3A_113 = arith.constant 1024 : i32
    %scan3A_114 = arith.addi %scan3A_112, %scan3A_113 : i32
    %scan3A_115 = arith.constant 1 : i32
    %scan3A_116 = scf.for %scan3A_251 = %scan3A_112 to %scan3A_114 step %scan3A_115 iter_args(%scan3A_252 = %scan3A) -> (i32)  : i32 {
      %broadcast_in_dim3A_253 = arith.constant 0.000000e+00 : f32
      %broadcast_in_dim3A_254 = vector.broadcast %broadcast_in_dim3A_253 : f32 to vector<16xf32>
      %jit3A = arith.constant 8 : i32
      %div3A = arith.divsi %scan3A_251, %jit3A : i32
      %sign3A = arith.constant 0 : i32
      %sign3A_255 = arith.cmpi sgt, %scan3A_251, %sign3A : i32
      %sign3A_256 = arith.extui %sign3A_255 : i1 to i32
      %sign3A_257 = arith.constant 0 : i32
      %sign3A_258 = arith.cmpi slt, %scan3A_251, %sign3A_257 : i32
      %sign3A_259 = arith.extui %sign3A_258 : i1 to i32
      %sign3A_260 = arith.subi %sign3A_256, %sign3A_259 : i32
      %sign3A_261 = arith.constant 0 : i32
      %sign3A_262 = arith.cmpi sgt, %jit3A, %sign3A_261 : i32
      %sign3A_263 = arith.extui %sign3A_262 : i1 to i32
      %sign3A_264 = arith.constant 0 : i32
      %sign3A_265 = arith.cmpi slt, %jit3A, %sign3A_264 : i32
      %sign3A_266 = arith.extui %sign3A_265 : i1 to i32
      %sign3A_267 = arith.subi %sign3A_263, %sign3A_266 : i32
      %ne3A = arith.cmpi ne, %sign3A_260, %sign3A_267 : i32
      %rem3A = arith.remsi %scan3A_251, %jit3A : i32
      %ne3A_268 = arith.constant 0 : i32
      %ne3A_269 = arith.cmpi ne, %rem3A, %ne3A_268 : i32
      %and3A = arith.andi %ne3A, %ne3A_269 : i1
      %sub3A = arith.constant 1 : i32
      %sub3A_270 = arith.subi %div3A, %sub3A : i32
      %select_n3A = arith.select %and3A, %sub3A_270, %div3A : i32
      %jit3A_271 = arith.constant 8 : i32
      %eq3A = arith.constant 0 : i32
      %eq3A_272 = arith.cmpi eq, %jit3A_271, %eq3A : i32
      %jit3A_273 = arith.constant 1 : i32
      %select_n3A_274 = arith.select %eq3A_272, %jit3A_273, %jit3A_271 : i32
      %rem3A_275 = arith.remsi %scan3A_251, %select_n3A_274 : i32
      %ne3A_276 = arith.constant 0 : i32
      %ne3A_277 = arith.cmpi ne, %rem3A_275, %ne3A_276 : i32
      %lt3A = arith.constant 0 : i32
      %lt3A_278 = arith.cmpi slt, %rem3A_275, %lt3A : i32
      %lt3A_279 = arith.constant 0 : i32
      %lt3A_280 = arith.cmpi slt, %select_n3A_274, %lt3A_279 : i32
      %ne3A_281 = arith.xori %lt3A_278, %lt3A_280 : i1
      %and3A_282 = arith.andi %ne3A_281, %ne3A_277 : i1
      %add3A_283 = arith.addi %rem3A_275, %select_n3A_274 : i32
      %select_n3A_284 = arith.select %and3A_282, %add3A_283, %rem3A_275 : i32
      %mul3A_285 = arith.constant 16 : i32
      %mul3A_286 = arith.muli %select_n3A_284, %mul3A_285 : i32
      %swap3A = arith.constant 0 : i32
      %swap3A_287 = arith.index_cast %swap3A : i32 to index
      %swap3A_288 = arith.index_cast %select_n3A : i32 to index
      %swap3A_289 = arith.index_cast %mul3A_286 : i32 to index
      %swap3A_290 = tpu.vector_load %arg9[%swap3A_287, %swap3A_288, %swap3A_289] {strides = array<i32>} : memref<2x128x128xf32, #tpu.memory_space<vmem>>, vector<16xf32>,
      tpu.vector_store %arg9[%swap3A_287, %swap3A_288, %swap3A_289], %broadcast_in_dim3A_254 {strides = array<i32>} : memref<2x128x128xf32, #tpu.memory_space<vmem>>, vector<16xf32>,
      %scan3A_291 = arith.constant 0 : i32
      scf.yield %scan3A_291 : i32
    }
    %scan3A_117 = arith.constant 1024 : i32
    %mul3A_118 = arith.constant 632 : i32
    %mul3A_119 = arith.muli %arg1, %mul3A_118 : i32
    %add3A_120 = arith.constant 0 : i32
    %add3A_121 = arith.addi %mul3A_119, %add3A_120 : i32
    %run_scoped3A = arith.constant 0 : i32
    "tpu.region"() ({
      %run_scoped3A_251 = tpu.sem_alloc : memref<!tpu.dma_semaphore, #tpu.memory_space<semaphore_mem>>
      %dma_start3A_252 = arith.constant 0 : i32
      %dma_start3A_253 = arith.constant 0 : i32
      %dma_start3A_254 = tpu.memref_slice %arg9[%run_scoped3A, %dma_start3A_252, %dma_start3A_253] : memref<2x128x128xf32, #tpu.memory_space<vmem>> -> memref<1x128x128xf32, #tpu.memory_space<vmem>>
      %dma_start3A_255 = tpu.memref_squeeze %dma_start3A_254 : memref<1x128x128xf32, #tpu.memory_space<vmem>> -> memref<128x128xf32, #tpu.memory_space<vmem>>
      %dma_start3A_256 = arith.constant 0 : i32
      %dma_start3A_257 = tpu.memref_slice %arg11[%add3A_121, %dma_start3A_256] : memref<10112x128xf32, #tpu.memory_space<vmem_shared>> -> memref<128x128xf32, #tpu.memory_space<vmem_shared>>
      %dma_start3A_258 = arith.constant 0 : i32
      %dma_start3A_259 = tpu.memref_slice %arg11[%add3A_121, %dma_start3A_258] : memref<10112x128xf32, #tpu.memory_space<vmem_shared>> -> memref<128x128xf32, #tpu.memory_space<vmem_shared>>
      %dma_start3A_260 = arith.constant 0 : i32
      %dma_start3A_261 = arith.constant 0 : i32
      %dma_start3A_262 = tpu.memref_slice %arg9[%run_scoped3A, %dma_start3A_260, %dma_start3A_261] : memref<2x128x128xf32, #tpu.memory_space<vmem>> -> memref<1x128x128xf32, #tpu.memory_space<vmem>>
      %dma_start3A_263 = tpu.memref_squeeze %dma_start3A_262 : memref<1x128x128xf32, #tpu.memory_space<vmem>> -> memref<128x128xf32, #tpu.memory_space<vmem>>
      tpu.enqueue_dma source(%dma_start3A_263 : memref<128x128xf32, #tpu.memory_space<vmem>>) target(%dma_start3A_259 : memref<128x128xf32, #tpu.memory_space<vmem_shared>>) target_semaphore(%run_scoped3A_251 : memref<!tpu.dma_semaphore, #tpu.memory_space<semaphore_mem>>)
      %dma_wait3A_264 = arith.constant 0 : i32
      %dma_wait3A_265 = arith.constant 0 : i32
      %dma_wait3A_266 = tpu.memref_slice %arg9[%run_scoped3A, %dma_wait3A_264, %dma_wait3A_265] : memref<2x128x128xf32, #tpu.memory_space<vmem>> -> memref<1x128x128xf32, #tpu.memory_space<vmem>>
      %dma_wait3A_267 = tpu.memref_squeeze %dma_wait3A_266 : memref<1x128x128xf32, #tpu.memory_space<vmem>> -> memref<128x128xf32, #tpu.memory_space<vmem>>
      %dma_wait3A_268 = arith.constant 0 : i32
      %dma_wait3A_269 = tpu.memref_slice %arg11[%add3A_121, %dma_wait3A_268] : memref<10112x128xf32, #tpu.memory_space<vmem_shared>> -> memref<128x128xf32, #tpu.memory_space<vmem_shared>>
      %dma_wait3A_270 = arith.constant 0 : i32
      %dma_wait3A_271 = tpu.memref_slice %arg11[%add3A_121, %dma_wait3A_270] : memref<10112x128xf32, #tpu.memory_space<vmem_shared>> -> memref<128x128xf32, #tpu.memory_space<vmem_shared>>
      %dma_wait3A_272 = arith.constant 0 : i32
      %dma_wait3A_273 = arith.constant 0 : i32
      %dma_wait3A_274 = tpu.memref_slice %arg9[%run_scoped3A, %dma_wait3A_272, %dma_wait3A_273] : memref<2x128x128xf32, #tpu.memory_space<vmem>> -> memref<1x128x128xf32, #tpu.memory_space<vmem>>
      %dma_wait3A_275 = tpu.memref_squeeze %dma_wait3A_274 : memref<1x128x128xf32, #tpu.memory_space<vmem>> -> memref<128x128xf32, #tpu.memory_space<vmem>>
      tpu.wait_dma2 semaphore(%run_scoped3A_251 : memref<!tpu.dma_semaphore, #tpu.memory_space<semaphore_mem>>) src(%dma_wait3A_275 : memref<128x128xf32, #tpu.memory_space<vmem>>) dst(%dma_wait3A_271 : memref<128x128xf32, #tpu.memory_space<vmem_shared>>)
      tpu.yield
    }) : () -> ()
    %mul3A_122 = arith.constant 632 : i32
    %mul3A_123 = arith.muli %arg1, %mul3A_122 : i32
    %add3A_124 = arith.constant 128 : i32
    %add3A_125 = arith.addi %mul3A_123, %add3A_124 : i32
    %run_scoped3A_126 = arith.constant 0 : i32
    "tpu.region"() ({
      %run_scoped3A_251 = tpu.sem_alloc : memref<!tpu.dma_semaphore, #tpu.memory_space<semaphore_mem>>
      %dma_start3A_252 = arith.constant 0 : i32
      %dma_start3A_253 = arith.constant 0 : i32
      %dma_start3A_254 = tpu.memref_slice %arg9[%run_scoped3A_126, %dma_start3A_252, %dma_start3A_253] : memref<2x128x128xf32, #tpu.memory_space<vmem>> -> memref<1x128x128xf32, #tpu.memory_space<vmem>>
      %dma_start3A_255 = tpu.memref_squeeze %dma_start3A_254 : memref<1x128x128xf32, #tpu.memory_space<vmem>> -> memref<128x128xf32, #tpu.memory_space<vmem>>
      %dma_start3A_256 = arith.constant 0 : i32
      %dma_start3A_257 = tpu.memref_slice %arg11[%add3A_125, %dma_start3A_256] : memref<10112x128xf32, #tpu.memory_space<vmem_shared>> -> memref<128x128xf32, #tpu.memory_space<vmem_shared>>
      %dma_start3A_258 = arith.constant 0 : i32
      %dma_start3A_259 = tpu.memref_slice %arg11[%add3A_125, %dma_start3A_258] : memref<10112x128xf32, #tpu.memory_space<vmem_shared>> -> memref<128x128xf32, #tpu.memory_space<vmem_shared>>
      %dma_start3A_260 = arith.constant 0 : i32
      %dma_start3A_261 = arith.constant 0 : i32
      %dma_start3A_262 = tpu.memref_slice %arg9[%run_scoped3A_126, %dma_start3A_260, %dma_start3A_261] : memref<2x128x128xf32, #tpu.memory_space<vmem>> -> memref<1x128x128xf32, #tpu.memory_space<vmem>>
      %dma_start3A_263 = tpu.memref_squeeze %dma_start3A_262 : memref<1x128x128xf32, #tpu.memory_space<vmem>> -> memref<128x128xf32, #tpu.memory_space<vmem>>
      tpu.enqueue_dma source(%dma_start3A_263 : memref<128x128xf32, #tpu.memory_space<vmem>>) target(%dma_start3A_259 : memref<128x128xf32, #tpu.memory_space<vmem_shared>>) target_semaphore(%run_scoped3A_251 : memref<!tpu.dma_semaphore, #tpu.memory_space<semaphore_mem>>)
      %dma_wait3A_264 = arith.constant 0 : i32
      %dma_wait3A_265 = arith.constant 0 : i32
      %dma_wait3A_266 = tpu.memref_slice %arg9[%run_scoped3A_126, %dma_wait3A_264, %dma_wait3A_265] : memref<2x128x128xf32, #tpu.memory_space<vmem>> -> memref<1x128x128xf32, #tpu.memory_space<vmem>>
      %dma_wait3A_267 = tpu.memref_squeeze %dma_wait3A_266 : memref<1x128x128xf32, #tpu.memory_space<vmem>> -> memref<128x128xf32, #tpu.memory_space<vmem>>
      %dma_wait3A_268 = arith.constant 0 : i32
      %dma_wait3A_269 = tpu.memref_slice %arg11[%add3A_125, %dma_wait3A_268] : memref<10112x128xf32, #tpu.memory_space<vmem_shared>> -> memref<128x128xf32, #tpu.memory_space<vmem_shared>>
      %dma_wait3A_270 = arith.constant 0 : i32
      %dma_wait3A_271 = tpu.memref_slice %arg11[%add3A_125, %dma_wait3A_270] : memref<10112x128xf32, #tpu.memory_space<vmem_shared>> -> memref<128x128xf32, #tpu.memory_space<vmem_shared>>
      %dma_wait3A_272 = arith.constant 0 : i32
      %dma_wait3A_273 = arith.constant 0 : i32
      %dma_wait3A_274 = tpu.memref_slice %arg9[%run_scoped3A_126, %dma_wait3A_272, %dma_wait3A_273] : memref<2x128x128xf32, #tpu.memory_space<vmem>> -> memref<1x128x128xf32, #tpu.memory_space<vmem>>
      %dma_wait3A_275 = tpu.memref_squeeze %dma_wait3A_274 : memref<1x128x128xf32, #tpu.memory_space<vmem>> -> memref<128x128xf32, #tpu.memory_space<vmem>>
      tpu.wait_dma2 semaphore(%run_scoped3A_251 : memref<!tpu.dma_semaphore, #tpu.memory_space<semaphore_mem>>) src(%dma_wait3A_275 : memref<128x128xf32, #tpu.memory_space<vmem>>) dst(%dma_wait3A_271 : memref<128x128xf32, #tpu.memory_space<vmem_shared>>)
      tpu.yield
    }) : () -> ()
    %mul3A_127 = arith.constant 632 : i32
    %mul3A_128 = arith.muli %arg1, %mul3A_127 : i32
    %add3A_129 = arith.constant 256 : i32
    %add3A_130 = arith.addi %mul3A_128, %add3A_129 : i32
    %run_scoped3A_131 = arith.constant 0 : i32
    "tpu.region"() ({
      %run_scoped3A_251 = tpu.sem_alloc : memref<!tpu.dma_semaphore, #tpu.memory_space<semaphore_mem>>
      %dma_start3A_252 = arith.constant 0 : i32
      %dma_start3A_253 = arith.constant 0 : i32
      %dma_start3A_254 = tpu.memref_slice %arg9[%run_scoped3A_131, %dma_start3A_252, %dma_start3A_253] : memref<2x128x128xf32, #tpu.memory_space<vmem>> -> memref<1x128x128xf32, #tpu.memory_space<vmem>>
      %dma_start3A_255 = tpu.memref_squeeze %dma_start3A_254 : memref<1x128x128xf32, #tpu.memory_space<vmem>> -> memref<128x128xf32, #tpu.memory_space<vmem>>
      %dma_start3A_256 = arith.constant 0 : i32
      %dma_start3A_257 = tpu.memref_slice %arg11[%add3A_130, %dma_start3A_256] : memref<10112x128xf32, #tpu.memory_space<vmem_shared>> -> memref<128x128xf32, #tpu.memory_space<vmem_shared>>
      %dma_start3A_258 = arith.constant 0 : i32
      %dma_start3A_259 = tpu.memref_slice %arg11[%add3A_130, %dma_start3A_258] : memref<10112x128xf32, #tpu.memory_space<vmem_shared>> -> memref<128x128xf32, #tpu.memory_space<vmem_shared>>
      %dma_start3A_260 = arith.constant 0 : i32
      %dma_start3A_261 = arith.constant 0 : i32
      %dma_start3A_262 = tpu.memref_slice %arg9[%run_scoped3A_131, %dma_start3A_260, %dma_start3A_261] : memref<2x128x128xf32, #tpu.memory_space<vmem>> -> memref<1x128x128xf32, #tpu.memory_space<vmem>>
      %dma_start3A_263 = tpu.memref_squeeze %dma_start3A_262 : memref<1x128x128xf32, #tpu.memory_space<vmem>> -> memref<128x128xf32, #tpu.memory_space<vmem>>
      tpu.enqueue_dma source(%dma_start3A_263 : memref<128x128xf32, #tpu.memory_space<vmem>>) target(%dma_start3A_259 : memref<128x128xf32, #tpu.memory_space<vmem_shared>>) target_semaphore(%run_scoped3A_251 : memref<!tpu.dma_semaphore, #tpu.memory_space<semaphore_mem>>)
      %dma_wait3A_264 = arith.constant 0 : i32
      %dma_wait3A_265 = arith.constant 0 : i32
      %dma_wait3A_266 = tpu.memref_slice %arg9[%run_scoped3A_131, %dma_wait3A_264, %dma_wait3A_265] : memref<2x128x128xf32, #tpu.memory_space<vmem>> -> memref<1x128x128xf32, #tpu.memory_space<vmem>>
      %dma_wait3A_267 = tpu.memref_squeeze %dma_wait3A_266 : memref<1x128x128xf32, #tpu.memory_space<vmem>> -> memref<128x128xf32, #tpu.memory_space<vmem>>
      %dma_wait3A_268 = arith.constant 0 : i32
      %dma_wait3A_269 = tpu.memref_slice %arg11[%add3A_130, %dma_wait3A_268] : memref<10112x128xf32, #tpu.memory_space<vmem_shared>> -> memref<128x128xf32, #tpu.memory_space<vmem_shared>>
      %dma_wait3A_270 = arith.constant 0 : i32
      %dma_wait3A_271 = tpu.memref_slice %arg11[%add3A_130, %dma_wait3A_270] : memref<10112x128xf32, #tpu.memory_space<vmem_shared>> -> memref<128x128xf32, #tpu.memory_space<vmem_shared>>
      %dma_wait3A_272 = arith.constant 0 : i32
      %dma_wait3A_273 = arith.constant 0 : i32
      %dma_wait3A_274 = tpu.memref_slice %arg9[%run_scoped3A_131, %dma_wait3A_272, %dma_wait3A_273] : memref<2x128x128xf32, #tpu.memory_space<vmem>> -> memref<1x128x128xf32, #tpu.memory_space<vmem>>
      %dma_wait3A_275 = tpu.memref_squeeze %dma_wait3A_274 : memref<1x128x128xf32, #tpu.memory_space<vmem>> -> memref<128x128xf32, #tpu.memory_space<vmem>>
      tpu.wait_dma2 semaphore(%run_scoped3A_251 : memref<!tpu.dma_semaphore, #tpu.memory_space<semaphore_mem>>) src(%dma_wait3A_275 : memref<128x128xf32, #tpu.memory_space<vmem>>) dst(%dma_wait3A_271 : memref<128x128xf32, #tpu.memory_space<vmem_shared>>)
      tpu.yield
    }) : () -> ()
    %mul3A_132 = arith.constant 632 : i32
    %mul3A_133 = arith.muli %arg1, %mul3A_132 : i32
    %add3A_134 = arith.constant 384 : i32
    %add3A_135 = arith.addi %mul3A_133, %add3A_134 : i32
    %run_scoped3A_136 = arith.constant 0 : i32
    "tpu.region"() ({
      %run_scoped3A_251 = tpu.sem_alloc : memref<!tpu.dma_semaphore, #tpu.memory_space<semaphore_mem>>
      %dma_start3A_252 = arith.constant 0 : i32
      %dma_start3A_253 = arith.constant 0 : i32
      %dma_start3A_254 = tpu.memref_slice %arg9[%run_scoped3A_136, %dma_start3A_252, %dma_start3A_253] : memref<2x128x128xf32, #tpu.memory_space<vmem>> -> memref<1x128x128xf32, #tpu.memory_space<vmem>>
      %dma_start3A_255 = tpu.memref_squeeze %dma_start3A_254 : memref<1x128x128xf32, #tpu.memory_space<vmem>> -> memref<128x128xf32, #tpu.memory_space<vmem>>
      %dma_start3A_256 = arith.constant 0 : i32
      %dma_start3A_257 = tpu.memref_slice %arg11[%add3A_135, %dma_start3A_256] : memref<10112x128xf32, #tpu.memory_space<vmem_shared>> -> memref<128x128xf32, #tpu.memory_space<vmem_shared>>
      %dma_start3A_258 = arith.constant 0 : i32
      %dma_start3A_259 = tpu.memref_slice %arg11[%add3A_135, %dma_start3A_258] : memref<10112x128xf32, #tpu.memory_space<vmem_shared>> -> memref<128x128xf32, #tpu.memory_space<vmem_shared>>
      %dma_start3A_260 = arith.constant 0 : i32
      %dma_start3A_261 = arith.constant 0 : i32
      %dma_start3A_262 = tpu.memref_slice %arg9[%run_scoped3A_136, %dma_start3A_260, %dma_start3A_261] : memref<2x128x128xf32, #tpu.memory_space<vmem>> -> memref<1x128x128xf32, #tpu.memory_space<vmem>>
      %dma_start3A_263 = tpu.memref_squeeze %dma_start3A_262 : memref<1x128x128xf32, #tpu.memory_space<vmem>> -> memref<128x128xf32, #tpu.memory_space<vmem>>
      tpu.enqueue_dma source(%dma_start3A_263 : memref<128x128xf32, #tpu.memory_space<vmem>>) target(%dma_start3A_259 : memref<128x128xf32, #tpu.memory_space<vmem_shared>>) target_semaphore(%run_scoped3A_251 : memref<!tpu.dma_semaphore, #tpu.memory_space<semaphore_mem>>)
      %dma_wait3A_264 = arith.constant 0 : i32
      %dma_wait3A_265 = arith.constant 0 : i32
      %dma_wait3A_266 = tpu.memref_slice %arg9[%run_scoped3A_136, %dma_wait3A_264, %dma_wait3A_265] : memref<2x128x128xf32, #tpu.memory_space<vmem>> -> memref<1x128x128xf32, #tpu.memory_space<vmem>>
      %dma_wait3A_267 = tpu.memref_squeeze %dma_wait3A_266 : memref<1x128x128xf32, #tpu.memory_space<vmem>> -> memref<128x128xf32, #tpu.memory_space<vmem>>
      %dma_wait3A_268 = arith.constant 0 : i32
      %dma_wait3A_269 = tpu.memref_slice %arg11[%add3A_135, %dma_wait3A_268] : memref<10112x128xf32, #tpu.memory_space<vmem_shared>> -> memref<128x128xf32, #tpu.memory_space<vmem_shared>>
      %dma_wait3A_270 = arith.constant 0 : i32
      %dma_wait3A_271 = tpu.memref_slice %arg11[%add3A_135, %dma_wait3A_270] : memref<10112x128xf32, #tpu.memory_space<vmem_shared>> -> memref<128x128xf32, #tpu.memory_space<vmem_shared>>
      %dma_wait3A_272 = arith.constant 0 : i32
      %dma_wait3A_273 = arith.constant 0 : i32
      %dma_wait3A_274 = tpu.memref_slice %arg9[%run_scoped3A_136, %dma_wait3A_272, %dma_wait3A_273] : memref<2x128x128xf32, #tpu.memory_space<vmem>> -> memref<1x128x128xf32, #tpu.memory_space<vmem>>
      %dma_wait3A_275 = tpu.memref_squeeze %dma_wait3A_274 : memref<1x128x128xf32, #tpu.memory_space<vmem>> -> memref<128x128xf32, #tpu.memory_space<vmem>>
      tpu.wait_dma2 semaphore(%run_scoped3A_251 : memref<!tpu.dma_semaphore, #tpu.memory_space<semaphore_mem>>) src(%dma_wait3A_275 : memref<128x128xf32, #tpu.memory_space<vmem>>) dst(%dma_wait3A_271 : memref<128x128xf32, #tpu.memory_space<vmem_shared>>)
      tpu.yield
    }) : () -> ()
    %mul3A_137 = arith.constant 632 : i32
    %mul3A_138 = arith.muli %arg1, %mul3A_137 : i32
    %add3A_139 = arith.constant 512 : i32
    %add3A_140 = arith.addi %mul3A_138, %add3A_139 : i32
    %run_scoped3A_141 = arith.constant 0 : i32
    "tpu.region"() ({
      %run_scoped3A_251 = tpu.sem_alloc : memref<!tpu.dma_semaphore, #tpu.memory_space<semaphore_mem>>
      %dma_start3A_252 = arith.constant 0 : i32
      %dma_start3A_253 = arith.constant 0 : i32
      %dma_start3A_254 = tpu.memref_slice %arg9[%run_scoped3A_141, %dma_start3A_252, %dma_start3A_253] : memref<2x128x128xf32, #tpu.memory_space<vmem>> -> memref<1x128x128xf32, #tpu.memory_space<vmem>>
      %dma_start3A_255 = tpu.memref_squeeze %dma_start3A_254 : memref<1x128x128xf32, #tpu.memory_space<vmem>> -> memref<128x128xf32, #tpu.memory_space<vmem>>
      %dma_start3A_256 = arith.constant 0 : i32
      %dma_start3A_257 = arith.constant 0 : i32
      %dma_start3A_258 = tpu.memref_slice %dma_start3A_255[%dma_start3A_256, %dma_start3A_257] : memref<128x128xf32, #tpu.memory_space<vmem>> -> memref<120x128xf32, #tpu.memory_space<vmem>>
      %dma_start3A_259 = arith.constant 0 : i32
      %dma_start3A_260 = tpu.memref_slice %arg11[%add3A_140, %dma_start3A_259] : memref<10112x128xf32, #tpu.memory_space<vmem_shared>> -> memref<120x128xf32, #tpu.memory_space<vmem_shared>>
      %dma_start3A_261 = arith.constant 0 : i32
      %dma_start3A_262 = tpu.memref_slice %arg11[%add3A_140, %dma_start3A_261] : memref<10112x128xf32, #tpu.memory_space<vmem_shared>> -> memref<120x128xf32, #tpu.memory_space<vmem_shared>>
      %dma_start3A_263 = arith.constant 0 : i32
      %dma_start3A_264 = arith.constant 0 : i32
      %dma_start3A_265 = tpu.memref_slice %arg9[%run_scoped3A_141, %dma_start3A_263, %dma_start3A_264] : memref<2x128x128xf32, #tpu.memory_space<vmem>> -> memref<1x128x128xf32, #tpu.memory_space<vmem>>
      %dma_start3A_266 = tpu.memref_squeeze %dma_start3A_265 : memref<1x128x128xf32, #tpu.memory_space<vmem>> -> memref<128x128xf32, #tpu.memory_space<vmem>>
      %dma_start3A_267 = arith.constant 0 : i32
      %dma_start3A_268 = arith.constant 0 : i32
      %dma_start3A_269 = tpu.memref_slice %dma_start3A_266[%dma_start3A_267, %dma_start3A_268] : memref<128x128xf32, #tpu.memory_space<vmem>> -> memref<120x128xf32, #tpu.memory_space<vmem>>
      tpu.enqueue_dma source(%dma_start3A_269 : memref<120x128xf32, #tpu.memory_space<vmem>>) target(%dma_start3A_262 : memref<120x128xf32, #tpu.memory_space<vmem_shared>>) target_semaphore(%run_scoped3A_251 : memref<!tpu.dma_semaphore, #tpu.memory_space<semaphore_mem>>)
      %dma_wait3A_270 = arith.constant 0 : i32
      %dma_wait3A_271 = arith.constant 0 : i32
      %dma_wait3A_272 = tpu.memref_slice %arg9[%run_scoped3A_141, %dma_wait3A_270, %dma_wait3A_271] : memref<2x128x128xf32, #tpu.memory_space<vmem>> -> memref<1x128x128xf32, #tpu.memory_space<vmem>>
      %dma_wait3A_273 = tpu.memref_squeeze %dma_wait3A_272 : memref<1x128x128xf32, #tpu.memory_space<vmem>> -> memref<128x128xf32, #tpu.memory_space<vmem>>
      %dma_wait3A_274 = arith.constant 0 : i32
      %dma_wait3A_275 = arith.constant 0 : i32
      %dma_wait3A_276 = tpu.memref_slice %dma_wait3A_273[%dma_wait3A_274, %dma_wait3A_275] : memref<128x128xf32, #tpu.memory_space<vmem>> -> memref<120x128xf32, #tpu.memory_space<vmem>>
      %dma_wait3A_277 = arith.constant 0 : i32
      %dma_wait3A_278 = tpu.memref_slice %arg11[%add3A_140, %dma_wait3A_277] : memref<10112x128xf32, #tpu.memory_space<vmem_shared>> -> memref<120x128xf32, #tpu.memory_space<vmem_shared>>
      %dma_wait3A_279 = arith.constant 0 : i32
      %dma_wait3A_280 = tpu.memref_slice %arg11[%add3A_140, %dma_wait3A_279] : memref<10112x128xf32, #tpu.memory_space<vmem_shared>> -> memref<120x128xf32, #tpu.memory_space<vmem_shared>>
      %dma_wait3A_281 = arith.constant 0 : i32
      %dma_wait3A_282 = arith.constant 0 : i32
      %dma_wait3A_283 = tpu.memref_slice %arg9[%run_scoped3A_141, %dma_wait3A_281, %dma_wait3A_282] : memref<2x128x128xf32, #tpu.memory_space<vmem>> -> memref<1x128x128xf32, #tpu.memory_space<vmem>>
      %dma_wait3A_284 = tpu.memref_squeeze %dma_wait3A_283 : memref<1x128x128xf32, #tpu.memory_space<vmem>> -> memref<128x128xf32, #tpu.memory_space<vmem>>
      %dma_wait3A_285 = arith.constant 0 : i32
      %dma_wait3A_286 = arith.constant 0 : i32
      %dma_wait3A_287 = tpu.memref_slice %dma_wait3A_284[%dma_wait3A_285, %dma_wait3A_286] : memref<128x128xf32, #tpu.memory_space<vmem>> -> memref<120x128xf32, #tpu.memory_space<vmem>>
      tpu.wait_dma2 semaphore(%run_scoped3A_251 : memref<!tpu.dma_semaphore, #tpu.memory_space<semaphore_mem>>) src(%dma_wait3A_287 : memref<120x128xf32, #tpu.memory_space<vmem>>) dst(%dma_wait3A_280 : memref<120x128xf32, #tpu.memory_space<vmem_shared>>)
      tpu.yield
    }) : () -> ()
    %scan3A_142 = arith.constant 0 : i32
    %scan3A_143 = arith.constant 0 : i32
    %scan3A_144 = arith.constant 632 : i32
    %scan3A_145 = arith.addi %scan3A_143, %scan3A_144 : i32
    %scan3A_146 = arith.constant 1 : i32
    %scan3A_147 = scf.for %scan3A_251 = %scan3A_143 to %scan3A_145 step %scan3A_146 iter_args(%scan3A_252 = %scan3A_142) -> (i32)  : i32 {
      %broadcast_in_dim3A_253 = arith.constant 0.000000e+00 : f32
      %broadcast_in_dim3A_254 = vector.broadcast %broadcast_in_dim3A_253 : f32 to vector<16xf32>
      %mul3A_255 = arith.constant 16 : i32
      %mul3A_256 = arith.muli %scan3A_251, %mul3A_255 : i32
      %swap3A = arith.index_cast %mul3A_256 : i32 to index
      %swap3A_257 = tpu.vector_load %arg10[%swap3A] {strides = array<i32>} : memref<10112xf32, #tpu.memory_space<vmem>>, vector<16xf32>,
      tpu.vector_store %arg10[%swap3A], %broadcast_in_dim3A_254 {strides = array<i32>} : memref<10112xf32, #tpu.memory_space<vmem>>, vector<16xf32>,
      %scan3A_258 = arith.constant 0 : i32
      scf.yield %scan3A_258 : i32
    }
    %scan3A_148 = arith.constant 632 : i32
    %barrier3A = arith.constant 0 : index
    tpu.barrier barrier_id(%barrier3A)
    %broadcast_in_dim3A = arith.constant 1.000000e+00 : f32
    %broadcast_in_dim3A_149 = vector.broadcast %broadcast_in_dim3A : f32 to vector<16xf32>
    %dma_wait3A = arith.constant 0 : i32
    %dma_wait3A_150 = arith.constant 0 : i32
    %dma_wait3A_151 = arith.constant 0 : i32
    %dma_wait3A_152 = arith.constant 0 : i32
    %dma_wait3A_153 = tpu.memref_slice %arg7[%dma_wait3A_150, %dma_wait3A_151, %dma_wait3A_152] : memref<2x8x128xi32, #tpu.memory_space<vmem>> -> memref<1x8x128xi32, #tpu.memory_space<vmem>>
    %dma_wait3A_154 = tpu.memref_squeeze %dma_wait3A_153 : memref<1x8x128xi32, #tpu.memory_space<vmem>> -> memref<8x128xi32, #tpu.memory_space<vmem>>
    %dma_wait3A_155 = arith.constant 0 : i32
    %dma_wait3A_156 = arith.constant 0 : i32
    %dma_wait3A_157 = arith.constant 0 : i32
    %dma_wait3A_158 = tpu.memref_slice %arg3[%add3A, %dma_wait3A_155, %dma_wait3A_156, %dma_wait3A_157] : memref<32x10x8x128xi32, #tpu.memory_space<hbm>> -> memref<1x10x8x128xi32, #tpu.memory_space<hbm>>
    %dma_wait3A_159 = tpu.memref_squeeze %dma_wait3A_158 : memref<1x10x8x128xi32, #tpu.memory_space<hbm>> -> memref<10x8x128xi32, #tpu.memory_space<hbm>>
    %dma_wait3A_160 = arith.constant 0 : i32
    %dma_wait3A_161 = arith.constant 0 : i32
    %dma_wait3A_162 = tpu.memref_slice %dma_wait3A_159[%dma_wait3A, %dma_wait3A_160, %dma_wait3A_161] : memref<10x8x128xi32, #tpu.memory_space<hbm>> -> memref<1x8x128xi32, #tpu.memory_space<hbm>>
    %dma_wait3A_163 = tpu.memref_squeeze %dma_wait3A_162 : memref<1x8x128xi32, #tpu.memory_space<hbm>> -> memref<8x128xi32, #tpu.memory_space<hbm>>
    %dma_wait3A_164 = arith.constant 0 : i32
    %dma_wait3A_165 = arith.constant 0 : i32
    %dma_wait3A_166 = tpu.memref_slice %arg7[%dma_wait3A_150, %dma_wait3A_164, %dma_wait3A_165] : memref<2x8x128xi32, #tpu.memory_space<vmem>> -> memref<1x8x128xi32, #tpu.memory_space<vmem>>
    %dma_wait3A_167 = tpu.memref_squeeze %dma_wait3A_166 : memref<1x8x128xi32, #tpu.memory_space<vmem>> -> memref<8x128xi32, #tpu.memory_space<vmem>>
    %dma_wait3A_168 = arith.constant 0 : i32
    %dma_wait3A_169 = arith.constant 0 : i32
    %dma_wait3A_170 = arith.constant 0 : i32
    %dma_wait3A_171 = tpu.memref_slice %arg3[%add3A, %dma_wait3A_168, %dma_wait3A_169, %dma_wait3A_170] : memref<32x10x8x128xi32, #tpu.memory_space<hbm>> -> memref<1x10x8x128xi32, #tpu.memory_space<hbm>>
    %dma_wait3A_172 = tpu.memref_squeeze %dma_wait3A_171 : memref<1x10x8x128xi32, #tpu.memory_space<hbm>> -> memref<10x8x128xi32, #tpu.memory_space<hbm>>
    %dma_wait3A_173 = arith.constant 0 : i32
    %dma_wait3A_174 = arith.constant 0 : i32
    %dma_wait3A_175 = tpu.memref_slice %dma_wait3A_172[%dma_wait3A, %dma_wait3A_173, %dma_wait3A_174] : memref<10x8x128xi32, #tpu.memory_space<hbm>> -> memref<1x8x128xi32, #tpu.memory_space<hbm>>
    %dma_wait3A_176 = tpu.memref_squeeze %dma_wait3A_175 : memref<1x8x128xi32, #tpu.memory_space<hbm>> -> memref<8x128xi32, #tpu.memory_space<hbm>>
    tpu.wait_dma2 semaphore(%arg14 : memref<!tpu.dma_semaphore, #tpu.memory_space<semaphore_mem>>) src(%dma_wait3A_176 : memref<8x128xi32, #tpu.memory_space<hbm>>) dst(%dma_wait3A_167 : memref<8x128xi32, #tpu.memory_space<vmem>>)
    %dma_wait3A_177 = arith.constant 0 : i32
    %dma_wait3A_178 = arith.constant 0 : i32
    %dma_wait3A_179 = arith.constant 0 : i32
    %dma_wait3A_180 = arith.constant 0 : i32
    %dma_wait3A_181 = tpu.memref_slice %arg8[%dma_wait3A_178, %dma_wait3A_179, %dma_wait3A_180] : memref<2x8x128xi32, #tpu.memory_space<vmem>> -> memref<1x8x128xi32, #tpu.memory_space<vmem>>
    %dma_wait3A_182 = tpu.memref_squeeze %dma_wait3A_181 : memref<1x8x128xi32, #tpu.memory_space<vmem>> -> memref<8x128xi32, #tpu.memory_space<vmem>>
    %dma_wait3A_183 = arith.constant 0 : i32
    %dma_wait3A_184 = arith.constant 0 : i32
    %dma_wait3A_185 = arith.constant 0 : i32
    %dma_wait3A_186 = tpu.memref_slice %arg4[%add3A, %dma_wait3A_183, %dma_wait3A_184, %dma_wait3A_185] : memref<32x10x8x128xi32, #tpu.memory_space<hbm>> -> memref<1x10x8x128xi32, #tpu.memory_space<hbm>>
    %dma_wait3A_187 = tpu.memref_squeeze %dma_wait3A_186 : memref<1x10x8x128xi32, #tpu.memory_space<hbm>> -> memref<10x8x128xi32, #tpu.memory_space<hbm>>
    %dma_wait3A_188 = arith.constant 0 : i32
    %dma_wait3A_189 = arith.constant 0 : i32
    %dma_wait3A_190 = tpu.memref_slice %dma_wait3A_187[%dma_wait3A_177, %dma_wait3A_188, %dma_wait3A_189] : memref<10x8x128xi32, #tpu.memory_space<hbm>> -> memref<1x8x128xi32, #tpu.memory_space<hbm>>
    %dma_wait3A_191 = tpu.memref_squeeze %dma_wait3A_190 : memref<1x8x128xi32, #tpu.memory_space<hbm>> -> memref<8x128xi32, #tpu.memory_space<hbm>>
    %dma_wait3A_192 = arith.constant 0 : i32
    %dma_wait3A_193 = arith.constant 0 : i32
    %dma_wait3A_194 = tpu.memref_slice %arg8[%dma_wait3A_178, %dma_wait3A_192, %dma_wait3A_193] : memref<2x8x128xi32, #tpu.memory_space<vmem>> -> memref<1x8x128xi32, #tpu.memory_space<vmem>>
    %dma_wait3A_195 = tpu.memref_squeeze %dma_wait3A_194 : memref<1x8x128xi32, #tpu.memory_space<vmem>> -> memref<8x128xi32, #tpu.memory_space<vmem>>
    %dma_wait3A_196 = arith.constant 0 : i32
    %dma_wait3A_197 = arith.constant 0 : i32
    %dma_wait3A_198 = arith.constant 0 : i32
    %dma_wait3A_199 = tpu.memref_slice %arg4[%add3A, %dma_wait3A_196, %dma_wait3A_197, %dma_wait3A_198] : memref<32x10x8x128xi32, #tpu.memory_space<hbm>> -> memref<1x10x8x128xi32, #tpu.memory_space<hbm>>
    %dma_wait3A_200 = tpu.memref_squeeze %dma_wait3A_199 : memref<1x10x8x128xi32, #tpu.memory_space<hbm>> -> memref<10x8x128xi32, #tpu.memory_space<hbm>>
    %dma_wait3A_201 = arith.constant 0 : i32
    %dma_wait3A_202 = arith.constant 0 : i32
    %dma_wait3A_203 = tpu.memref_slice %dma_wait3A_200[%dma_wait3A_177, %dma_wait3A_201, %dma_wait3A_202] : memref<10x8x128xi32, #tpu.memory_space<hbm>> -> memref<1x8x128xi32, #tpu.memory_space<hbm>>
    %dma_wait3A_204 = tpu.memref_squeeze %dma_wait3A_203 : memref<1x8x128xi32, #tpu.memory_space<hbm>> -> memref<8x128xi32, #tpu.memory_space<hbm>>
    tpu.wait_dma2 semaphore(%arg14 : memref<!tpu.dma_semaphore, #tpu.memory_space<semaphore_mem>>) src(%dma_wait3A_204 : memref<8x128xi32, #tpu.memory_space<hbm>>) dst(%dma_wait3A_195 : memref<8x128xi32, #tpu.memory_space<vmem>>)
    %dma_start3A_205 = arith.constant 0 : i32
    %dma_start3A_206 = arith.constant 0 : i32
    %dma_start3A_207 = arith.constant 0 : i32
    %dma_start3A_208 = arith.constant 0 : i32
    %dma_start3A_209 = arith.constant 0 : i32
    %dma_start3A_210 = tpu.memref_slice %arg9[%dma_start3A_207, %dma_start3A_208, %dma_start3A_209] : memref<2x128x128xf32, #tpu.memory_space<vmem>> -> memref<1x128x128xf32, #tpu.memory_space<vmem>>
    %dma_start3A_211 = tpu.memref_squeeze %dma_start3A_210 : memref<1x128x128xf32, #tpu.memory_space<vmem>> -> memref<128x128xf32, #tpu.memory_space<vmem>>
    %dma_start3A_212 = arith.constant 0 : i32
    %dma_start3A_213 = arith.constant 0 : i32
    %dma_start3A_214 = tpu.memref_slice %arg7[%dma_start3A_205, %dma_start3A_212, %dma_start3A_213] : memref<2x8x128xi32, #tpu.memory_space<vmem>> -> memref<1x8x128xi32, #tpu.memory_space<vmem>>
    %dma_start3A_215 = tpu.memref_squeeze %dma_start3A_214 : memref<1x8x128xi32, #tpu.memory_space<vmem>> -> memref<8x128xi32, #tpu.memory_space<vmem>>
    %dma_start3A_216 = arith.constant 0 : i32
    %dma_start3A_217 = tpu.memref_slice %dma_start3A_215[%dma_start3A_206, %dma_start3A_216] : memref<8x128xi32, #tpu.memory_space<vmem>> -> memref<1x128xi32, #tpu.memory_space<vmem>>
    %dma_start3A_218 = tpu.memref_squeeze %dma_start3A_217 : memref<1x128xi32, #tpu.memory_space<vmem>> -> memref<128xi32, #tpu.memory_space<vmem>>
    %dma_start3A_219 = arith.constant 0 : i32
    %dma_start3A_220 = arith.constant 0 : i32
    %dma_start3A_221 = tpu.memref_slice %arg2[%dma_start3A_219, %dma_start3A_220] : memref<10000x128xf32, #tpu.memory_space<hbm>> -> memref<10000x128xf32, #tpu.memory_space<hbm>>
    tpu.enqueue_indirect_dma source(%dma_start3A_221 : memref<10000x128xf32, #tpu.memory_space<hbm>>) target(%dma_start3A_211 : memref<128x128xf32, #tpu.memory_space<vmem>>) offsets(%dma_start3A_218 : memref<128xi32, #tpu.memory_space<vmem>>) semaphore(%arg12 : memref<!tpu.dma_semaphore, #tpu.memory_space<semaphore_mem>>)
    %dma_start3A_222 = arith.constant 0 : i32
    %dma_start3A_223 = arith.constant 1 : i32
    %dma_start3A_224 = arith.constant 1 : i32
    %dma_start3A_225 = arith.constant 0 : i32
    %dma_start3A_226 = arith.constant 0 : i32
    %dma_start3A_227 = tpu.memref_slice %arg9[%dma_start3A_224, %dma_start3A_225, %dma_start3A_226] : memref<2x128x128xf32, #tpu.memory_space<vmem>> -> memref<1x128x128xf32, #tpu.memory_space<vmem>>
    %dma_start3A_228 = tpu.memref_squeeze %dma_start3A_227 : memref<1x128x128xf32, #tpu.memory_space<vmem>> -> memref<128x128xf32, #tpu.memory_space<vmem>>
    %dma_start3A_229 = arith.constant 0 : i32
    %dma_start3A_230 = arith.constant 0 : i32
    %dma_start3A_231 = tpu.memref_slice %arg7[%dma_start3A_222, %dma_start3A_229, %dma_start3A_230] : memref<2x8x128xi32, #tpu.memory_space<vmem>> -> memref<1x8x128xi32, #tpu.memory_space<vmem>>
    %dma_start3A_232 = tpu.memref_squeeze %dma_start3A_231 : memref<1x8x128xi32, #tpu.memory_space<vmem>> -> memref<8x128xi32, #tpu.memory_space<vmem>>
    %dma_start3A_233 = arith.constant 0 : i32
    %dma_start3A_234 = tpu.memref_slice %dma_start3A_232[%dma_start3A_223, %dma_start3A_233] : memref<8x128xi32, #tpu.memory_space<vmem>> -> memref<1x128xi32, #tpu.memory_space<vmem>>
    %dma_start3A_235 = tpu.memref_squeeze %dma_start3A_234 : memref<1x128xi32, #tpu.memory_space<vmem>> -> memref<128xi32, #tpu.memory_space<vmem>>
    %dma_start3A_236 = arith.constant 0 : i32
    %dma_start3A_237 = arith.constant 0 : i32
    %dma_start3A_238 = tpu.memref_slice %arg2[%dma_start3A_236, %dma_start3A_237] : memref<10000x128xf32, #tpu.memory_space<hbm>> -> memref<10000x128xf32, #tpu.memory_space<hbm>>
    tpu.enqueue_indirect_dma source(%dma_start3A_238 : memref<10000x128xf32, #tpu.memory_space<hbm>>) target(%dma_start3A_228 : memref<128x128xf32, #tpu.memory_space<vmem>>) offsets(%dma_start3A_235 : memref<128xi32, #tpu.memory_space<vmem>>) semaphore(%arg13 : memref<!tpu.dma_semaphore, #tpu.memory_space<semaphore_mem>>)
    %scan3A_239 = arith.constant 0 : i32
    %scan3A_240 = arith.constant 0 : i32
    %scan3A_241 = arith.constant 10 : i32
    %scan3A_242 = arith.addi %scan3A_240, %scan3A_241 : i32
    %scan3A_243 = arith.constant 1 : i32
    %scan3A_244 = scf.for %scan3A_251 = %scan3A_240 to %scan3A_242 step %scan3A_243 iter_args(%scan3A_252 = %scan3A_239) -> (i32)  : i32 {
      %jit3A = arith.constant 2 : i32
      %eq3A = arith.constant 0 : i32
      %eq3A_253 = arith.cmpi eq, %jit3A, %eq3A : i32
      %jit3A_254 = arith.constant 1 : i32
      %select_n3A = arith.select %eq3A_253, %jit3A_254, %jit3A : i32
      %rem3A = arith.remsi %scan3A_251, %select_n3A : i32
      %ne3A = arith.constant 0 : i32
      %ne3A_255 = arith.cmpi ne, %rem3A, %ne3A : i32
      %lt3A = arith.constant 0 : i32
      %lt3A_256 = arith.cmpi slt, %rem3A, %lt3A : i32
      %lt3A_257 = arith.constant 0 : i32
      %lt3A_258 = arith.cmpi slt, %select_n3A, %lt3A_257 : i32
      %ne3A_259 = arith.xori %lt3A_256, %lt3A_258 : i1
      %and3A = arith.andi %ne3A_259, %ne3A_255 : i1
      %add3A_260 = arith.addi %rem3A, %select_n3A : i32
      %select_n3A_261 = arith.select %and3A, %add3A_260, %rem3A : i32
      %sub3A = arith.constant 1 : i32
      %sub3A_262 = arith.subi %sub3A, %select_n3A_261 : i32
      %scan3A_263 = arith.constant 0 : i32
      %scan3A_264 = arith.constant 0 : i32
      %scan3A_265 = arith.constant 8 : i32
      %scan3A_266 = arith.addi %scan3A_264, %scan3A_265 : i32
      %scan3A_267 = arith.constant 1 : i32
      %scan3A_268 = scf.for %scan3A_524 = %scan3A_264 to %scan3A_266 step %scan3A_267 iter_args(%scan3A_525 = %scan3A_263) -> (i32)  : i32 {
        %get3A = arith.index_cast %select_n3A_261 : i32 to index
        %get3A_526 = arith.index_cast %scan3A_524 : i32 to index
        %get3A_527 = arith.constant 0 : index
        %get3A_528 = tpu.vector_load %arg8[%get3A, %get3A_526, %get3A_527] {strides = array<i32>} : memref<2x8x128xi32, #tpu.memory_space<vmem>>, vector<16xi32>,
        tpu.vector_store_idx %arg10[%get3A_528], %broadcast_in_dim3A_149 {add = true} : memref<10112xf32, #tpu.memory_space<vmem>>[vector<16xi32>], vector<16xf32>,
        %get3A_529 = arith.index_cast %select_n3A_261 : i32 to index
        %get3A_530 = arith.index_cast %scan3A_524 : i32 to index
        %get3A_531 = arith.constant 16 : index
        %get3A_532 = tpu.vector_load %arg8[%get3A_529, %get3A_530, %get3A_531] {strides = array<i32>} : memref<2x8x128xi32, #tpu.memory_space<vmem>>, vector<16xi32>,
        tpu.vector_store_idx %arg10[%get3A_532], %broadcast_in_dim3A_149 {add = true} : memref<10112xf32, #tpu.memory_space<vmem>>[vector<16xi32>], vector<16xf32>,
        %get3A_533 = arith.index_cast %select_n3A_261 : i32 to index
        %get3A_534 = arith.index_cast %scan3A_524 : i32 to index
        %get3A_535 = arith.constant 32 : index
        %get3A_536 = tpu.vector_load %arg8[%get3A_533, %get3A_534, %get3A_535] {strides = array<i32>} : memref<2x8x128xi32, #tpu.memory_space<vmem>>, vector<16xi32>,
        tpu.vector_store_idx %arg10[%get3A_536], %broadcast_in_dim3A_149 {add = true} : memref<10112xf32, #tpu.memory_space<vmem>>[vector<16xi32>], vector<16xf32>,
        %get3A_537 = arith.index_cast %select_n3A_261 : i32 to index
        %get3A_538 = arith.index_cast %scan3A_524 : i32 to index
        %get3A_539 = arith.constant 48 : index
        %get3A_540 = tpu.vector_load %arg8[%get3A_537, %get3A_538, %get3A_539] {strides = array<i32>} : memref<2x8x128xi32, #tpu.memory_space<vmem>>, vector<16xi32>,
        tpu.vector_store_idx %arg10[%get3A_540], %broadcast_in_dim3A_149 {add = true} : memref<10112xf32, #tpu.memory_space<vmem>>[vector<16xi32>], vector<16xf32>,
        %get3A_541 = arith.index_cast %select_n3A_261 : i32 to index
        %get3A_542 = arith.index_cast %scan3A_524 : i32 to index
        %get3A_543 = arith.constant 64 : index
        %get3A_544 = tpu.vector_load %arg8[%get3A_541, %get3A_542, %get3A_543] {strides = array<i32>} : memref<2x8x128xi32, #tpu.memory_space<vmem>>, vector<16xi32>,
        tpu.vector_store_idx %arg10[%get3A_544], %broadcast_in_dim3A_149 {add = true} : memref<10112xf32, #tpu.memory_space<vmem>>[vector<16xi32>], vector<16xf32>,
        %get3A_545 = arith.index_cast %select_n3A_261 : i32 to index
        %get3A_546 = arith.index_cast %scan3A_524 : i32 to index
        %get3A_547 = arith.constant 80 : index
        %get3A_548 = tpu.vector_load %arg8[%get3A_545, %get3A_546, %get3A_547] {strides = array<i32>} : memref<2x8x128xi32, #tpu.memory_space<vmem>>, vector<16xi32>,
        tpu.vector_store_idx %arg10[%get3A_548], %broadcast_in_dim3A_149 {add = true} : memref<10112xf32, #tpu.memory_space<vmem>>[vector<16xi32>], vector<16xf32>,
        %get3A_549 = arith.index_cast %select_n3A_261 : i32 to index
        %get3A_550 = arith.index_cast %scan3A_524 : i32 to index
        %get3A_551 = arith.constant 96 : index
        %get3A_552 = tpu.vector_load %arg8[%get3A_549, %get3A_550, %get3A_551] {strides = array<i32>} : memref<2x8x128xi32, #tpu.memory_space<vmem>>, vector<16xi32>,
        tpu.vector_store_idx %arg10[%get3A_552], %broadcast_in_dim3A_149 {add = true} : memref<10112xf32, #tpu.memory_space<vmem>>[vector<16xi32>], vector<16xf32>,
        %get3A_553 = arith.index_cast %select_n3A_261 : i32 to index
        %get3A_554 = arith.index_cast %scan3A_524 : i32 to index
        %get3A_555 = arith.constant 112 : index
        %get3A_556 = tpu.vector_load %arg8[%get3A_553, %get3A_554, %get3A_555] {strides = array<i32>} : memref<2x8x128xi32, #tpu.memory_space<vmem>>, vector<16xi32>,
        tpu.vector_store_idx %arg10[%get3A_556], %broadcast_in_dim3A_149 {add = true} : memref<10112xf32, #tpu.memory_space<vmem>>[vector<16xi32>], vector<16xf32>,
        %scan3A_557 = arith.constant 0 : i32
        scf.yield %scan3A_557 : i32
      }
      %scan3A_269 = arith.constant 8 : i32
      %dma_wait3A_270 = arith.constant 0 : i32
      %dma_wait3A_271 = arith.constant 0 : i32
      %dma_wait3A_272 = arith.constant 0 : i32
      %dma_wait3A_273 = arith.constant 0 : i32
      %dma_wait3A_274 = tpu.memref_slice %arg9[%dma_wait3A_271, %dma_wait3A_272, %dma_wait3A_273] : memref<2x128x128xf32, #tpu.memory_space<vmem>> -> memref<1x128x128xf32, #tpu.memory_space<vmem>>
      %dma_wait3A_275 = tpu.memref_squeeze %dma_wait3A_274 : memref<1x128x128xf32, #tpu.memory_space<vmem>> -> memref<128x128xf32, #tpu.memory_space<vmem>>
      %dma_wait3A_276 = arith.constant 0 : i32
      %dma_wait3A_277 = arith.constant 0 : i32
      %dma_wait3A_278 = tpu.memref_slice %arg7[%select_n3A_261, %dma_wait3A_276, %dma_wait3A_277] : memref<2x8x128xi32, #tpu.memory_space<vmem>> -> memref<1x8x128xi32, #tpu.memory_space<vmem>>
      %dma_wait3A_279 = tpu.memref_squeeze %dma_wait3A_278 : memref<1x8x128xi32, #tpu.memory_space<vmem>> -> memref<8x128xi32, #tpu.memory_space<vmem>>
      %dma_wait3A_280 = arith.constant 0 : i32
      %dma_wait3A_281 = tpu.memref_slice %dma_wait3A_279[%dma_wait3A_270, %dma_wait3A_280] : memref<8x128xi32, #tpu.memory_space<vmem>> -> memref<1x128xi32, #tpu.memory_space<vmem>>
      %dma_wait3A_282 = tpu.memref_squeeze %dma_wait3A_281 : memref<1x128xi32, #tpu.memory_space<vmem>> -> memref<128xi32, #tpu.memory_space<vmem>>
      %dma_wait3A_283 = arith.constant 0 : i32
      %dma_wait3A_284 = arith.constant 0 : i32
      %dma_wait3A_285 = tpu.memref_slice %arg2[%dma_wait3A_283, %dma_wait3A_284] : memref<10000x128xf32, #tpu.memory_space<hbm>> -> memref<10000x128xf32, #tpu.memory_space<hbm>>
      tpu.wait_indirect_dma semaphore(%arg12 : memref<!tpu.dma_semaphore, #tpu.memory_space<semaphore_mem>>) src(%dma_wait3A_285 : memref<10000x128xf32, #tpu.memory_space<hbm>>) dst(%dma_wait3A_275 : memref<128x128xf32, #tpu.memory_space<vmem>>)
      %run_scoped3A_286 = arith.constant 0 : i32
      %run_scoped3A_287 = arith.constant 0 : i32
      "tpu.region"() ({
        %run_scoped3A_524 = tpu.sem_alloc : memref<!tpu.dma_semaphore, #tpu.memory_space<semaphore_mem>>
        %dma_start3A_525 = arith.constant 0 : i32
        %dma_start3A_526 = arith.constant 0 : i32
        %dma_start3A_527 = tpu.memref_slice %arg9[%run_scoped3A_286, %dma_start3A_525, %dma_start3A_526] : memref<2x128x128xf32, #tpu.memory_space<vmem>> -> memref<1x128x128xf32, #tpu.memory_space<vmem>>
        %dma_start3A_528 = tpu.memref_squeeze %dma_start3A_527 : memref<1x128x128xf32, #tpu.memory_space<vmem>> -> memref<128x128xf32, #tpu.memory_space<vmem>>
        %dma_start3A_529 = arith.constant 0 : i32
        %dma_start3A_530 = arith.constant 0 : i32
        %dma_start3A_531 = tpu.memref_slice %arg8[%select_n3A_261, %dma_start3A_529, %dma_start3A_530] : memref<2x8x128xi32, #tpu.memory_space<vmem>> -> memref<1x8x128xi32, #tpu.memory_space<vmem>>
        %dma_start3A_532 = tpu.memref_squeeze %dma_start3A_531 : memref<1x8x128xi32, #tpu.memory_space<vmem>> -> memref<8x128xi32, #tpu.memory_space<vmem>>
        %dma_start3A_533 = arith.constant 0 : i32
        %dma_start3A_534 = tpu.memref_slice %dma_start3A_532[%run_scoped3A_287, %dma_start3A_533] : memref<8x128xi32, #tpu.memory_space<vmem>> -> memref<1x128xi32, #tpu.memory_space<vmem>>
        %dma_start3A_535 = tpu.memref_squeeze %dma_start3A_534 : memref<1x128xi32, #tpu.memory_space<vmem>> -> memref<128xi32, #tpu.memory_space<vmem>>
        %dma_start3A_536 = arith.constant 0 : i32
        %dma_start3A_537 = arith.constant 0 : i32
        %dma_start3A_538 = tpu.memref_slice %arg11[%dma_start3A_536, %dma_start3A_537] : memref<10112x128xf32, #tpu.memory_space<vmem_shared>> -> memref<10112x128xf32, #tpu.memory_space<vmem_shared>>
        tpu.enqueue_indirect_dma source(%dma_start3A_528 : memref<128x128xf32, #tpu.memory_space<vmem>>) target(%dma_start3A_538 : memref<10112x128xf32, #tpu.memory_space<vmem_shared>>) offsets(%dma_start3A_535 : memref<128xi32, #tpu.memory_space<vmem>>) semaphore(%run_scoped3A_524 : memref<!tpu.dma_semaphore, #tpu.memory_space<semaphore_mem>>) {add = true}
        %dma_wait3A_539 = arith.constant 0 : i32
        %dma_wait3A_540 = arith.constant 0 : i32
        %dma_wait3A_541 = tpu.memref_slice %arg9[%run_scoped3A_286, %dma_wait3A_539, %dma_wait3A_540] : memref<2x128x128xf32, #tpu.memory_space<vmem>> -> memref<1x128x128xf32, #tpu.memory_space<vmem>>
        %dma_wait3A_542 = tpu.memref_squeeze %dma_wait3A_541 : memref<1x128x128xf32, #tpu.memory_space<vmem>> -> memref<128x128xf32, #tpu.memory_space<vmem>>
        %dma_wait3A_543 = arith.constant 0 : i32
        %dma_wait3A_544 = arith.constant 0 : i32
        %dma_wait3A_545 = tpu.memref_slice %arg8[%select_n3A_261, %dma_wait3A_543, %dma_wait3A_544] : memref<2x8x128xi32, #tpu.memory_space<vmem>> -> memref<1x8x128xi32, #tpu.memory_space<vmem>>
        %dma_wait3A_546 = tpu.memref_squeeze %dma_wait3A_545 : memref<1x8x128xi32, #tpu.memory_space<vmem>> -> memref<8x128xi32, #tpu.memory_space<vmem>>
        %dma_wait3A_547 = arith.constant 0 : i32
        %dma_wait3A_548 = tpu.memref_slice %dma_wait3A_546[%run_scoped3A_287, %dma_wait3A_547] : memref<8x128xi32, #tpu.memory_space<vmem>> -> memref<1x128xi32, #tpu.memory_space<vmem>>
        %dma_wait3A_549 = tpu.memref_squeeze %dma_wait3A_548 : memref<1x128xi32, #tpu.memory_space<vmem>> -> memref<128xi32, #tpu.memory_space<vmem>>
        %dma_wait3A_550 = arith.constant 0 : i32
        %dma_wait3A_551 = arith.constant 0 : i32
        %dma_wait3A_552 = tpu.memref_slice %arg11[%dma_wait3A_550, %dma_wait3A_551] : memref<10112x128xf32, #tpu.memory_space<vmem_shared>> -> memref<10112x128xf32, #tpu.memory_space<vmem_shared>>
        tpu.wait_indirect_dma semaphore(%run_scoped3A_524 : memref<!tpu.dma_semaphore, #tpu.memory_space<semaphore_mem>>) src(%dma_wait3A_542 : memref<128x128xf32, #tpu.memory_space<vmem>>) dst(%dma_wait3A_552 : memref<10112x128xf32, #tpu.memory_space<vmem_shared>>)
        tpu.yield
      }) : () -> ()
      %dma_start3A_288 = arith.constant 2 : i32
      %dma_start3A_289 = arith.constant 0 : i32
      %dma_start3A_290 = arith.constant 0 : i32
      %dma_start3A_291 = arith.constant 0 : i32
      %dma_start3A_292 = tpu.memref_slice %arg9[%dma_start3A_289, %dma_start3A_290, %dma_start3A_291] : memref<2x128x128xf32, #tpu.memory_space<vmem>> -> memref<1x128x128xf32, #tpu.memory_space<vmem>>
      %dma_start3A_293 = tpu.memref_squeeze %dma_start3A_292 : memref<1x128x128xf32, #tpu.memory_space<vmem>> -> memref<128x128xf32, #tpu.memory_space<vmem>>
      %dma_start3A_294 = arith.constant 0 : i32
      %dma_start3A_295 = arith.constant 0 : i32
      %dma_start3A_296 = tpu.memref_slice %arg7[%select_n3A_261, %dma_start3A_294, %dma_start3A_295] : memref<2x8x128xi32, #tpu.memory_space<vmem>> -> memref<1x8x128xi32, #tpu.memory_space<vmem>>
      %dma_start3A_297 = tpu.memref_squeeze %dma_start3A_296 : memref<1x8x128xi32, #tpu.memory_space<vmem>> -> memref<8x128xi32, #tpu.memory_space<vmem>>
      %dma_start3A_298 = arith.constant 0 : i32
      %dma_start3A_299 = tpu.memref_slice %dma_start3A_297[%dma_start3A_288, %dma_start3A_298] : memref<8x128xi32, #tpu.memory_space<vmem>> -> memref<1x128xi32, #tpu.memory_space<vmem>>
      %dma_start3A_300 = tpu.memref_squeeze %dma_start3A_299 : memref<1x128xi32, #tpu.memory_space<vmem>> -> memref<128xi32, #tpu.memory_space<vmem>>
      %dma_start3A_301 = arith.constant 0 : i32
      %dma_start3A_302 = arith.constant 0 : i32
      %dma_start3A_303 = tpu.memref_slice %arg2[%dma_start3A_301, %dma_start3A_302] : memref<10000x128xf32, #tpu.memory_space<hbm>> -> memref<10000x128xf32, #tpu.memory_space<hbm>>
      tpu.enqueue_indirect_dma source(%dma_start3A_303 : memref<10000x128xf32, #tpu.memory_space<hbm>>) target(%dma_start3A_293 : memref<128x128xf32, #tpu.memory_space<vmem>>) offsets(%dma_start3A_300 : memref<128xi32, #tpu.memory_space<vmem>>) semaphore(%arg12 : memref<!tpu.dma_semaphore, #tpu.memory_space<semaphore_mem>>)
      %dma_wait3A_304 = arith.constant 1 : i32
      %dma_wait3A_305 = arith.constant 1 : i32
      %dma_wait3A_306 = arith.constant 0 : i32
      %dma_wait3A_307 = arith.constant 0 : i32
      %dma_wait3A_308 = tpu.memref_slice %arg9[%dma_wait3A_305, %dma_wait3A_306, %dma_wait3A_307] : memref<2x128x128xf32, #tpu.memory_space<vmem>> -> memref<1x128x128xf32, #tpu.memory_space<vmem>>
      %dma_wait3A_309 = tpu.memref_squeeze %dma_wait3A_308 : memref<1x128x128xf32, #tpu.memory_space<vmem>> -> memref<128x128xf32, #tpu.memory_space<vmem>>
      %dma_wait3A_310 = arith.constant 0 : i32
      %dma_wait3A_311 = arith.constant 0 : i32
      %dma_wait3A_312 = tpu.memref_slice %arg7[%select_n3A_261, %dma_wait3A_310, %dma_wait3A_311] : memref<2x8x128xi32, #tpu.memory_space<vmem>> -> memref<1x8x128xi32, #tpu.memory_space<vmem>>
      %dma_wait3A_313 = tpu.memref_squeeze %dma_wait3A_312 : memref<1x8x128xi32, #tpu.memory_space<vmem>> -> memref<8x128xi32, #tpu.memory_space<vmem>>
      %dma_wait3A_314 = arith.constant 0 : i32
      %dma_wait3A_315 = tpu.memref_slice %dma_wait3A_313[%dma_wait3A_304, %dma_wait3A_314] : memref<8x128xi32, #tpu.memory_space<vmem>> -> memref<1x128xi32, #tpu.memory_space<vmem>>
      %dma_wait3A_316 = tpu.memref_squeeze %dma_wait3A_315 : memref<1x128xi32, #tpu.memory_space<vmem>> -> memref<128xi32, #tpu.memory_space<vmem>>
      %dma_wait3A_317 = arith.constant 0 : i32
      %dma_wait3A_318 = arith.constant 0 : i32
      %dma_wait3A_319 = tpu.memref_slice %arg2[%dma_wait3A_317, %dma_wait3A_318] : memref<10000x128xf32, #tpu.memory_space<hbm>> -> memref<10000x128xf32, #tpu.memory_space<hbm>>
      tpu.wait_indirect_dma semaphore(%arg13 : memref<!tpu.dma_semaphore, #tpu.memory_space<semaphore_mem>>) src(%dma_wait3A_319 : memref<10000x128xf32, #tpu.memory_space<hbm>>) dst(%dma_wait3A_309 : memref<128x128xf32, #tpu.memory_space<vmem>>)
      %run_scoped3A_320 = arith.constant 1 : i32
      %run_scoped3A_321 = arith.constant 1 : i32
      "tpu.region"() ({
        %run_scoped3A_524 = tpu.sem_alloc : memref<!tpu.dma_semaphore, #tpu.memory_space<semaphore_mem>>
        %dma_start3A_525 = arith.constant 0 : i32
        %dma_start3A_526 = arith.constant 0 : i32
        %dma_start3A_527 = tpu.memref_slice %arg9[%run_scoped3A_320, %dma_start3A_525, %dma_start3A_526] : memref<2x128x128xf32, #tpu.memory_space<vmem>> -> memref<1x128x128xf32, #tpu.memory_space<vmem>>
        %dma_start3A_528 = tpu.memref_squeeze %dma_start3A_527 : memref<1x128x128xf32, #tpu.memory_space<vmem>> -> memref<128x128xf32, #tpu.memory_space<vmem>>
        %dma_start3A_529 = arith.constant 0 : i32
        %dma_start3A_530 = arith.constant 0 : i32
        %dma_start3A_531 = tpu.memref_slice %arg8[%select_n3A_261, %dma_start3A_529, %dma_start3A_530] : memref<2x8x128xi32, #tpu.memory_space<vmem>> -> memref<1x8x128xi32, #tpu.memory_space<vmem>>
        %dma_start3A_532 = tpu.memref_squeeze %dma_start3A_531 : memref<1x8x128xi32, #tpu.memory_space<vmem>> -> memref<8x128xi32, #tpu.memory_space<vmem>>
        %dma_start3A_533 = arith.constant 0 : i32
        %dma_start3A_534 = tpu.memref_slice %dma_start3A_532[%run_scoped3A_321, %dma_start3A_533] : memref<8x128xi32, #tpu.memory_space<vmem>> -> memref<1x128xi32, #tpu.memory_space<vmem>>
        %dma_start3A_535 = tpu.memref_squeeze %dma_start3A_534 : memref<1x128xi32, #tpu.memory_space<vmem>> -> memref<128xi32, #tpu.memory_space<vmem>>
        %dma_start3A_536 = arith.constant 0 : i32
        %dma_start3A_537 = arith.constant 0 : i32
        %dma_start3A_538 = tpu.memref_slice %arg11[%dma_start3A_536, %dma_start3A_537] : memref<10112x128xf32, #tpu.memory_space<vmem_shared>> -> memref<10112x128xf32, #tpu.memory_space<vmem_shared>>
        tpu.enqueue_indirect_dma source(%dma_start3A_528 : memref<128x128xf32, #tpu.memory_space<vmem>>) target(%dma_start3A_538 : memref<10112x128xf32, #tpu.memory_space<vmem_shared>>) offsets(%dma_start3A_535 : memref<128xi32, #tpu.memory_space<vmem>>) semaphore(%run_scoped3A_524 : memref<!tpu.dma_semaphore, #tpu.memory_space<semaphore_mem>>) {add = true}
        %dma_wait3A_539 = arith.constant 0 : i32
        %dma_wait3A_540 = arith.constant 0 : i32
        %dma_wait3A_541 = tpu.memref_slice %arg9[%run_scoped3A_320, %dma_wait3A_539, %dma_wait3A_540] : memref<2x128x128xf32, #tpu.memory_space<vmem>> -> memref<1x128x128xf32, #tpu.memory_space<vmem>>
        %dma_wait3A_542 = tpu.memref_squeeze %dma_wait3A_541 : memref<1x128x128xf32, #tpu.memory_space<vmem>> -> memref<128x128xf32, #tpu.memory_space<vmem>>
        %dma_wait3A_543 = arith.constant 0 : i32
        %dma_wait3A_544 = arith.constant 0 : i32
        %dma_wait3A_545 = tpu.memref_slice %arg8[%select_n3A_261, %dma_wait3A_543, %dma_wait3A_544] : memref<2x8x128xi32, #tpu.memory_space<vmem>> -> memref<1x8x128xi32, #tpu.memory_space<vmem>>
        %dma_wait3A_546 = tpu.memref_squeeze %dma_wait3A_545 : memref<1x8x128xi32, #tpu.memory_space<vmem>> -> memref<8x128xi32, #tpu.memory_space<vmem>>
        %dma_wait3A_547 = arith.constant 0 : i32
        %dma_wait3A_548 = tpu.memref_slice %dma_wait3A_546[%run_scoped3A_321, %dma_wait3A_547] : memref<8x128xi32, #tpu.memory_space<vmem>> -> memref<1x128xi32, #tpu.memory_space<vmem>>
        %dma_wait3A_549 = tpu.memref_squeeze %dma_wait3A_548 : memref<1x128xi32, #tpu.memory_space<vmem>> -> memref<128xi32, #tpu.memory_space<vmem>>
        %dma_wait3A_550 = arith.constant 0 : i32
        %dma_wait3A_551 = arith.constant 0 : i32
        %dma_wait3A_552 = tpu.memref_slice %arg11[%dma_wait3A_550, %dma_wait3A_551] : memref<10112x128xf32, #tpu.memory_space<vmem_shared>> -> memref<10112x128xf32, #tpu.memory_space<vmem_shared>>
        tpu.wait_indirect_dma semaphore(%run_scoped3A_524 : memref<!tpu.dma_semaphore, #tpu.memory_space<semaphore_mem>>) src(%dma_wait3A_542 : memref<128x128xf32, #tpu.memory_space<vmem>>) dst(%dma_wait3A_552 : memref<10112x128xf32, #tpu.memory_space<vmem_shared>>)
        tpu.yield
      }) : () -> ()
      %dma_start3A_322 = arith.constant 3 : i32
      %dma_start3A_323 = arith.constant 1 : i32
      %dma_start3A_324 = arith.constant 0 : i32
      %dma_start3A_325 = arith.constant 0 : i32
      %dma_start3A_326 = tpu.memref_slice %arg9[%dma_start3A_323, %dma_start3A_324, %dma_start3A_325] : memref<2x128x128xf32, #tpu.memory_space<vmem>> -> memref<1x128x128xf32, #tpu.memory_space<vmem>>
      %dma_start3A_327 = tpu.memref_squeeze %dma_start3A_326 : memref<1x128x128xf32, #tpu.memory_space<vmem>> -> memref<128x128xf32, #tpu.memory_space<vmem>>
      %dma_start3A_328 = arith.constant 0 : i32
      %dma_start3A_329 = arith.constant 0 : i32
      %dma_start3A_330 = tpu.memref_slice %arg7[%select_n3A_261, %dma_start3A_328, %dma_start3A_329] : memref<2x8x128xi32, #tpu.memory_space<vmem>> -> memref<1x8x128xi32, #tpu.memory_space<vmem>>
      %dma_start3A_331 = tpu.memref_squeeze %dma_start3A_330 : memref<1x8x128xi32, #tpu.memory_space<vmem>> -> memref<8x128xi32, #tpu.memory_space<vmem>>
      %dma_start3A_332 = arith.constant 0 : i32
      %dma_start3A_333 = tpu.memref_slice %dma_start3A_331[%dma_start3A_322, %dma_start3A_332] : memref<8x128xi32, #tpu.memory_space<vmem>> -> memref<1x128xi32, #tpu.memory_space<vmem>>
      %dma_start3A_334 = tpu.memref_squeeze %dma_start3A_333 : memref<1x128xi32, #tpu.memory_space<vmem>> -> memref<128xi32, #tpu.memory_space<vmem>>
      %dma_start3A_335 = arith.constant 0 : i32
      %dma_start3A_336 = arith.constant 0 : i32
      %dma_start3A_337 = tpu.memref_slice %arg2[%dma_start3A_335, %dma_start3A_336] : memref<10000x128xf32, #tpu.memory_space<hbm>> -> memref<10000x128xf32, #tpu.memory_space<hbm>>
      tpu.enqueue_indirect_dma source(%dma_start3A_337 : memref<10000x128xf32, #tpu.memory_space<hbm>>) target(%dma_start3A_327 : memref<128x128xf32, #tpu.memory_space<vmem>>) offsets(%dma_start3A_334 : memref<128xi32, #tpu.memory_space<vmem>>) semaphore(%arg13 : memref<!tpu.dma_semaphore, #tpu.memory_space<semaphore_mem>>)
      %dma_wait3A_338 = arith.constant 2 : i32
      %dma_wait3A_339 = arith.constant 0 : i32
      %dma_wait3A_340 = arith.constant 0 : i32
      %dma_wait3A_341 = arith.constant 0 : i32
      %dma_wait3A_342 = tpu.memref_slice %arg9[%dma_wait3A_339, %dma_wait3A_340, %dma_wait3A_341] : memref<2x128x128xf32, #tpu.memory_space<vmem>> -> memref<1x128x128xf32, #tpu.memory_space<vmem>>
      %dma_wait3A_343 = tpu.memref_squeeze %dma_wait3A_342 : memref<1x128x128xf32, #tpu.memory_space<vmem>> -> memref<128x128xf32, #tpu.memory_space<vmem>>
      %dma_wait3A_344 = arith.constant 0 : i32
      %dma_wait3A_345 = arith.constant 0 : i32
      %dma_wait3A_346 = tpu.memref_slice %arg7[%select_n3A_261, %dma_wait3A_344, %dma_wait3A_345] : memref<2x8x128xi32, #tpu.memory_space<vmem>> -> memref<1x8x128xi32, #tpu.memory_space<vmem>>
      %dma_wait3A_347 = tpu.memref_squeeze %dma_wait3A_346 : memref<1x8x128xi32, #tpu.memory_space<vmem>> -> memref<8x128xi32, #tpu.memory_space<vmem>>
      %dma_wait3A_348 = arith.constant 0 : i32
      %dma_wait3A_349 = tpu.memref_slice %dma_wait3A_347[%dma_wait3A_338, %dma_wait3A_348] : memref<8x128xi32, #tpu.memory_space<vmem>> -> memref<1x128xi32, #tpu.memory_space<vmem>>
      %dma_wait3A_350 = tpu.memref_squeeze %dma_wait3A_349 : memref<1x128xi32, #tpu.memory_space<vmem>> -> memref<128xi32, #tpu.memory_space<vmem>>
      %dma_wait3A_351 = arith.constant 0 : i32
      %dma_wait3A_352 = arith.constant 0 : i32
      %dma_wait3A_353 = tpu.memref_slice %arg2[%dma_wait3A_351, %dma_wait3A_352] : memref<10000x128xf32, #tpu.memory_space<hbm>> -> memref<10000x128xf32, #tpu.memory_space<hbm>>
      tpu.wait_indirect_dma semaphore(%arg12 : memref<!tpu.dma_semaphore, #tpu.memory_space<semaphore_mem>>) src(%dma_wait3A_353 : memref<10000x128xf32, #tpu.memory_space<hbm>>) dst(%dma_wait3A_343 : memref<128x128xf32, #tpu.memory_space<vmem>>)
      %run_scoped3A_354 = arith.constant 0 : i32
      %run_scoped3A_355 = arith.constant 2 : i32
      "tpu.region"() ({
        %run_scoped3A_524 = tpu.sem_alloc : memref<!tpu.dma_semaphore, #tpu.memory_space<semaphore_mem>>
        %dma_start3A_525 = arith.constant 0 : i32
        %dma_start3A_526 = arith.constant 0 : i32
        %dma_start3A_527 = tpu.memref_slice %arg9[%run_scoped3A_354, %dma_start3A_525, %dma_start3A_526] : memref<2x128x128xf32, #tpu.memory_space<vmem>> -> memref<1x128x128xf32, #tpu.memory_space<vmem>>
        %dma_start3A_528 = tpu.memref_squeeze %dma_start3A_527 : memref<1x128x128xf32, #tpu.memory_space<vmem>> -> memref<128x128xf32, #tpu.memory_space<vmem>>
        %dma_start3A_529 = arith.constant 0 : i32
        %dma_start3A_530 = arith.constant 0 : i32
        %dma_start3A_531 = tpu.memref_slice %arg8[%select_n3A_261, %dma_start3A_529, %dma_start3A_530] : memref<2x8x128xi32, #tpu.memory_space<vmem>> -> memref<1x8x128xi32, #tpu.memory_space<vmem>>
        %dma_start3A_532 = tpu.memref_squeeze %dma_start3A_531 : memref<1x8x128xi32, #tpu.memory_space<vmem>> -> memref<8x128xi32, #tpu.memory_space<vmem>>
        %dma_start3A_533 = arith.constant 0 : i32
        %dma_start3A_534 = tpu.memref_slice %dma_start3A_532[%run_scoped3A_355, %dma_start3A_533] : memref<8x128xi32, #tpu.memory_space<vmem>> -> memref<1x128xi32, #tpu.memory_space<vmem>>
        %dma_start3A_535 = tpu.memref_squeeze %dma_start3A_534 : memref<1x128xi32, #tpu.memory_space<vmem>> -> memref<128xi32, #tpu.memory_space<vmem>>
        %dma_start3A_536 = arith.constant 0 : i32
        %dma_start3A_537 = arith.constant 0 : i32
        %dma_start3A_538 = tpu.memref_slice %arg11[%dma_start3A_536, %dma_start3A_537] : memref<10112x128xf32, #tpu.memory_space<vmem_shared>> -> memref<10112x128xf32, #tpu.memory_space<vmem_shared>>
        tpu.enqueue_indirect_dma source(%dma_start3A_528 : memref<128x128xf32, #tpu.memory_space<vmem>>) target(%dma_start3A_538 : memref<10112x128xf32, #tpu.memory_space<vmem_shared>>) offsets(%dma_start3A_535 : memref<128xi32, #tpu.memory_space<vmem>>) semaphore(%run_scoped3A_524 : memref<!tpu.dma_semaphore, #tpu.memory_space<semaphore_mem>>) {add = true}
        %dma_wait3A_539 = arith.constant 0 : i32
        %dma_wait3A_540 = arith.constant 0 : i32
        %dma_wait3A_541 = tpu.memref_slice %arg9[%run_scoped3A_354, %dma_wait3A_539, %dma_wait3A_540] : memref<2x128x128xf32, #tpu.memory_space<vmem>> -> memref<1x128x128xf32, #tpu.memory_space<vmem>>
        %dma_wait3A_542 = tpu.memref_squeeze %dma_wait3A_541 : memref<1x128x128xf32, #tpu.memory_space<vmem>> -> memref<128x128xf32, #tpu.memory_space<vmem>>
        %dma_wait3A_543 = arith.constant 0 : i32
        %dma_wait3A_544 = arith.constant 0 : i32
        %dma_wait3A_545 = tpu.memref_slice %arg8[%select_n3A_261, %dma_wait3A_543, %dma_wait3A_544] : memref<2x8x128xi32, #tpu.memory_space<vmem>> -> memref<1x8x128xi32, #tpu.memory_space<vmem>>
        %dma_wait3A_546 = tpu.memref_squeeze %dma_wait3A_545 : memref<1x8x128xi32, #tpu.memory_space<vmem>> -> memref<8x128xi32, #tpu.memory_space<vmem>>
        %dma_wait3A_547 = arith.constant 0 : i32
        %dma_wait3A_548 = tpu.memref_slice %dma_wait3A_546[%run_scoped3A_355, %dma_wait3A_547] : memref<8x128xi32, #tpu.memory_space<vmem>> -> memref<1x128xi32, #tpu.memory_space<vmem>>
        %dma_wait3A_549 = tpu.memref_squeeze %dma_wait3A_548 : memref<1x128xi32, #tpu.memory_space<vmem>> -> memref<128xi32, #tpu.memory_space<vmem>>
        %dma_wait3A_550 = arith.constant 0 : i32
        %dma_wait3A_551 = arith.constant 0 : i32
        %dma_wait3A_552 = tpu.memref_slice %arg11[%dma_wait3A_550, %dma_wait3A_551] : memref<10112x128xf32, #tpu.memory_space<vmem_shared>> -> memref<10112x128xf32, #tpu.memory_space<vmem_shared>>
        tpu.wait_indirect_dma semaphore(%run_scoped3A_524 : memref<!tpu.dma_semaphore, #tpu.memory_space<semaphore_mem>>) src(%dma_wait3A_542 : memref<128x128xf32, #tpu.memory_space<vmem>>) dst(%dma_wait3A_552 : memref<10112x128xf32, #tpu.memory_space<vmem_shared>>)
        tpu.yield
      }) : () -> ()
      %dma_start3A_356 = arith.constant 4 : i32
      %dma_start3A_357 = arith.constant 0 : i32
      %dma_start3A_358 = arith.constant 0 : i32
      %dma_start3A_359 = arith.constant 0 : i32
      %dma_start3A_360 = tpu.memref_slice %arg9[%dma_start3A_357, %dma_start3A_358, %dma_start3A_359] : memref<2x128x128xf32, #tpu.memory_space<vmem>> -> memref<1x128x128xf32, #tpu.memory_space<vmem>>
      %dma_start3A_361 = tpu.memref_squeeze %dma_start3A_360 : memref<1x128x128xf32, #tpu.memory_space<vmem>> -> memref<128x128xf32, #tpu.memory_space<vmem>>
      %dma_start3A_362 = arith.constant 0 : i32
      %dma_start3A_363 = arith.constant 0 : i32
      %dma_start3A_364 = tpu.memref_slice %arg7[%select_n3A_261, %dma_start3A_362, %dma_start3A_363] : memref<2x8x128xi32, #tpu.memory_space<vmem>> -> memref<1x8x128xi32, #tpu.memory_space<vmem>>
      %dma_start3A_365 = tpu.memref_squeeze %dma_start3A_364 : memref<1x8x128xi32, #tpu.memory_space<vmem>> -> memref<8x128xi32, #tpu.memory_space<vmem>>
      %dma_start3A_366 = arith.constant 0 : i32
      %dma_start3A_367 = tpu.memref_slice %dma_start3A_365[%dma_start3A_356, %dma_start3A_366] : memref<8x128xi32, #tpu.memory_space<vmem>> -> memref<1x128xi32, #tpu.memory_space<vmem>>
      %dma_start3A_368 = tpu.memref_squeeze %dma_start3A_367 : memref<1x128xi32, #tpu.memory_space<vmem>> -> memref<128xi32, #tpu.memory_space<vmem>>
      %dma_start3A_369 = arith.constant 0 : i32
      %dma_start3A_370 = arith.constant 0 : i32
      %dma_start3A_371 = tpu.memref_slice %arg2[%dma_start3A_369, %dma_start3A_370] : memref<10000x128xf32, #tpu.memory_space<hbm>> -> memref<10000x128xf32, #tpu.memory_space<hbm>>
      tpu.enqueue_indirect_dma source(%dma_start3A_371 : memref<10000x128xf32, #tpu.memory_space<hbm>>) target(%dma_start3A_361 : memref<128x128xf32, #tpu.memory_space<vmem>>) offsets(%dma_start3A_368 : memref<128xi32, #tpu.memory_space<vmem>>) semaphore(%arg12 : memref<!tpu.dma_semaphore, #tpu.memory_space<semaphore_mem>>)
      %dma_wait3A_372 = arith.constant 3 : i32
      %dma_wait3A_373 = arith.constant 1 : i32
      %dma_wait3A_374 = arith.constant 0 : i32
      %dma_wait3A_375 = arith.constant 0 : i32
      %dma_wait3A_376 = tpu.memref_slice %arg9[%dma_wait3A_373, %dma_wait3A_374, %dma_wait3A_375] : memref<2x128x128xf32, #tpu.memory_space<vmem>> -> memref<1x128x128xf32, #tpu.memory_space<vmem>>
      %dma_wait3A_377 = tpu.memref_squeeze %dma_wait3A_376 : memref<1x128x128xf32, #tpu.memory_space<vmem>> -> memref<128x128xf32, #tpu.memory_space<vmem>>
      %dma_wait3A_378 = arith.constant 0 : i32
      %dma_wait3A_379 = arith.constant 0 : i32
      %dma_wait3A_380 = tpu.memref_slice %arg7[%select_n3A_261, %dma_wait3A_378, %dma_wait3A_379] : memref<2x8x128xi32, #tpu.memory_space<vmem>> -> memref<1x8x128xi32, #tpu.memory_space<vmem>>
      %dma_wait3A_381 = tpu.memref_squeeze %dma_wait3A_380 : memref<1x8x128xi32, #tpu.memory_space<vmem>> -> memref<8x128xi32, #tpu.memory_space<vmem>>
      %dma_wait3A_382 = arith.constant 0 : i32
      %dma_wait3A_383 = tpu.memref_slice %dma_wait3A_381[%dma_wait3A_372, %dma_wait3A_382] : memref<8x128xi32, #tpu.memory_space<vmem>> -> memref<1x128xi32, #tpu.memory_space<vmem>>
      %dma_wait3A_384 = tpu.memref_squeeze %dma_wait3A_383 : memref<1x128xi32, #tpu.memory_space<vmem>> -> memref<128xi32, #tpu.memory_space<vmem>>
      %dma_wait3A_385 = arith.constant 0 : i32
      %dma_wait3A_386 = arith.constant 0 : i32
      %dma_wait3A_387 = tpu.memref_slice %arg2[%dma_wait3A_385, %dma_wait3A_386] : memref<10000x128xf32, #tpu.memory_space<hbm>> -> memref<10000x128xf32, #tpu.memory_space<hbm>>
      tpu.wait_indirect_dma semaphore(%arg13 : memref<!tpu.dma_semaphore, #tpu.memory_space<semaphore_mem>>) src(%dma_wait3A_387 : memref<10000x128xf32, #tpu.memory_space<hbm>>) dst(%dma_wait3A_377 : memref<128x128xf32, #tpu.memory_space<vmem>>)
      %run_scoped3A_388 = arith.constant 1 : i32
      %run_scoped3A_389 = arith.constant 3 : i32
      "tpu.region"() ({
        %run_scoped3A_524 = tpu.sem_alloc : memref<!tpu.dma_semaphore, #tpu.memory_space<semaphore_mem>>
        %dma_start3A_525 = arith.constant 0 : i32
        %dma_start3A_526 = arith.constant 0 : i32
        %dma_start3A_527 = tpu.memref_slice %arg9[%run_scoped3A_388, %dma_start3A_525, %dma_start3A_526] : memref<2x128x128xf32, #tpu.memory_space<vmem>> -> memref<1x128x128xf32, #tpu.memory_space<vmem>>
        %dma_start3A_528 = tpu.memref_squeeze %dma_start3A_527 : memref<1x128x128xf32, #tpu.memory_space<vmem>> -> memref<128x128xf32, #tpu.memory_space<vmem>>
        %dma_start3A_529 = arith.constant 0 : i32
        %dma_start3A_530 = arith.constant 0 : i32
        %dma_start3A_531 = tpu.memref_slice %arg8[%select_n3A_261, %dma_start3A_529, %dma_start3A_530] : memref<2x8x128xi32, #tpu.memory_space<vmem>> -> memref<1x8x128xi32, #tpu.memory_space<vmem>>
        %dma_start3A_532 = tpu.memref_squeeze %dma_start3A_531 : memref<1x8x128xi32, #tpu.memory_space<vmem>> -> memref<8x128xi32, #tpu.memory_space<vmem>>
        %dma_start3A_533 = arith.constant 0 : i32
        %dma_start3A_534 = tpu.memref_slice %dma_start3A_532[%run_scoped3A_389, %dma_start3A_533] : memref<8x128xi32, #tpu.memory_space<vmem>> -> memref<1x128xi32, #tpu.memory_space<vmem>>
        %dma_start3A_535 = tpu.memref_squeeze %dma_start3A_534 : memref<1x128xi32, #tpu.memory_space<vmem>> -> memref<128xi32, #tpu.memory_space<vmem>>
        %dma_start3A_536 = arith.constant 0 : i32
        %dma_start3A_537 = arith.constant 0 : i32
        %dma_start3A_538 = tpu.memref_slice %arg11[%dma_start3A_536, %dma_start3A_537] : memref<10112x128xf32, #tpu.memory_space<vmem_shared>> -> memref<10112x128xf32, #tpu.memory_space<vmem_shared>>
        tpu.enqueue_indirect_dma source(%dma_start3A_528 : memref<128x128xf32, #tpu.memory_space<vmem>>) target(%dma_start3A_538 : memref<10112x128xf32, #tpu.memory_space<vmem_shared>>) offsets(%dma_start3A_535 : memref<128xi32, #tpu.memory_space<vmem>>) semaphore(%run_scoped3A_524 : memref<!tpu.dma_semaphore, #tpu.memory_space<semaphore_mem>>) {add = true}
        %dma_wait3A_539 = arith.constant 0 : i32
        %dma_wait3A_540 = arith.constant 0 : i32
        %dma_wait3A_541 = tpu.memref_slice %arg9[%run_scoped3A_388, %dma_wait3A_539, %dma_wait3A_540] : memref<2x128x128xf32, #tpu.memory_space<vmem>> -> memref<1x128x128xf32, #tpu.memory_space<vmem>>
        %dma_wait3A_542 = tpu.memref_squeeze %dma_wait3A_541 : memref<1x128x128xf32, #tpu.memory_space<vmem>> -> memref<128x128xf32, #tpu.memory_space<vmem>>
        %dma_wait3A_543 = arith.constant 0 : i32
        %dma_wait3A_544 = arith.constant 0 : i32
        %dma_wait3A_545 = tpu.memref_slice %arg8[%select_n3A_261, %dma_wait3A_543, %dma_wait3A_544] : memref<2x8x128xi32, #tpu.memory_space<vmem>> -> memref<1x8x128xi32, #tpu.memory_space<vmem>>
        %dma_wait3A_546 = tpu.memref_squeeze %dma_wait3A_545 : memref<1x8x128xi32, #tpu.memory_space<vmem>> -> memref<8x128xi32, #tpu.memory_space<vmem>>
        %dma_wait3A_547 = arith.constant 0 : i32
        %dma_wait3A_548 = tpu.memref_slice %dma_wait3A_546[%run_scoped3A_389, %dma_wait3A_547] : memref<8x128xi32, #tpu.memory_space<vmem>> -> memref<1x128xi32, #tpu.memory_space<vmem>>
        %dma_wait3A_549 = tpu.memref_squeeze %dma_wait3A_548 : memref<1x128xi32, #tpu.memory_space<vmem>> -> memref<128xi32, #tpu.memory_space<vmem>>
        %dma_wait3A_550 = arith.constant 0 : i32
        %dma_wait3A_551 = arith.constant 0 : i32
        %dma_wait3A_552 = tpu.memref_slice %arg11[%dma_wait3A_550, %dma_wait3A_551] : memref<10112x128xf32, #tpu.memory_space<vmem_shared>> -> memref<10112x128xf32, #tpu.memory_space<vmem_shared>>
        tpu.wait_indirect_dma semaphore(%run_scoped3A_524 : memref<!tpu.dma_semaphore, #tpu.memory_space<semaphore_mem>>) src(%dma_wait3A_542 : memref<128x128xf32, #tpu.memory_space<vmem>>) dst(%dma_wait3A_552 : memref<10112x128xf32, #tpu.memory_space<vmem_shared>>)
        tpu.yield
      }) : () -> ()
      %dma_start3A_390 = arith.constant 5 : i32
      %dma_start3A_391 = arith.constant 1 : i32
      %dma_start3A_392 = arith.constant 0 : i32
      %dma_start3A_393 = arith.constant 0 : i32
      %dma_start3A_394 = tpu.memref_slice %arg9[%dma_start3A_391, %dma_start3A_392, %dma_start3A_393] : memref<2x128x128xf32, #tpu.memory_space<vmem>> -> memref<1x128x128xf32, #tpu.memory_space<vmem>>
      %dma_start3A_395 = tpu.memref_squeeze %dma_start3A_394 : memref<1x128x128xf32, #tpu.memory_space<vmem>> -> memref<128x128xf32, #tpu.memory_space<vmem>>
      %dma_start3A_396 = arith.constant 0 : i32
      %dma_start3A_397 = arith.constant 0 : i32
      %dma_start3A_398 = tpu.memref_slice %arg7[%select_n3A_261, %dma_start3A_396, %dma_start3A_397] : memref<2x8x128xi32, #tpu.memory_space<vmem>> -> memref<1x8x128xi32, #tpu.memory_space<vmem>>
      %dma_start3A_399 = tpu.memref_squeeze %dma_start3A_398 : memref<1x8x128xi32, #tpu.memory_space<vmem>> -> memref<8x128xi32, #tpu.memory_space<vmem>>
      %dma_start3A_400 = arith.constant 0 : i32
      %dma_start3A_401 = tpu.memref_slice %dma_start3A_399[%dma_start3A_390, %dma_start3A_400] : memref<8x128xi32, #tpu.memory_space<vmem>> -> memref<1x128xi32, #tpu.memory_space<vmem>>
      %dma_start3A_402 = tpu.memref_squeeze %dma_start3A_401 : memref<1x128xi32, #tpu.memory_space<vmem>> -> memref<128xi32, #tpu.memory_space<vmem>>
      %dma_start3A_403 = arith.constant 0 : i32
      %dma_start3A_404 = arith.constant 0 : i32
      %dma_start3A_405 = tpu.memref_slice %arg2[%dma_start3A_403, %dma_start3A_404] : memref<10000x128xf32, #tpu.memory_space<hbm>> -> memref<10000x128xf32, #tpu.memory_space<hbm>>
      tpu.enqueue_indirect_dma source(%dma_start3A_405 : memref<10000x128xf32, #tpu.memory_space<hbm>>) target(%dma_start3A_395 : memref<128x128xf32, #tpu.memory_space<vmem>>) offsets(%dma_start3A_402 : memref<128xi32, #tpu.memory_space<vmem>>) semaphore(%arg13 : memref<!tpu.dma_semaphore, #tpu.memory_space<semaphore_mem>>)
      %dma_wait3A_406 = arith.constant 4 : i32
      %dma_wait3A_407 = arith.constant 0 : i32
      %dma_wait3A_408 = arith.constant 0 : i32
      %dma_wait3A_409 = arith.constant 0 : i32
      %dma_wait3A_410 = tpu.memref_slice %arg9[%dma_wait3A_407, %dma_wait3A_408, %dma_wait3A_409] : memref<2x128x128xf32, #tpu.memory_space<vmem>> -> memref<1x128x128xf32, #tpu.memory_space<vmem>>
      %dma_wait3A_411 = tpu.memref_squeeze %dma_wait3A_410 : memref<1x128x128xf32, #tpu.memory_space<vmem>> -> memref<128x128xf32, #tpu.memory_space<vmem>>
      %dma_wait3A_412 = arith.constant 0 : i32
      %dma_wait3A_413 = arith.constant 0 : i32
      %dma_wait3A_414 = tpu.memref_slice %arg7[%select_n3A_261, %dma_wait3A_412, %dma_wait3A_413] : memref<2x8x128xi32, #tpu.memory_space<vmem>> -> memref<1x8x128xi32, #tpu.memory_space<vmem>>
      %dma_wait3A_415 = tpu.memref_squeeze %dma_wait3A_414 : memref<1x8x128xi32, #tpu.memory_space<vmem>> -> memref<8x128xi32, #tpu.memory_space<vmem>>
      %dma_wait3A_416 = arith.constant 0 : i32
      %dma_wait3A_417 = tpu.memref_slice %dma_wait3A_415[%dma_wait3A_406, %dma_wait3A_416] : memref<8x128xi32, #tpu.memory_space<vmem>> -> memref<1x128xi32, #tpu.memory_space<vmem>>
      %dma_wait3A_418 = tpu.memref_squeeze %dma_wait3A_417 : memref<1x128xi32, #tpu.memory_space<vmem>> -> memref<128xi32, #tpu.memory_space<vmem>>
      %dma_wait3A_419 = arith.constant 0 : i32
      %dma_wait3A_420 = arith.constant 0 : i32
      %dma_wait3A_421 = tpu.memref_slice %arg2[%dma_wait3A_419, %dma_wait3A_420] : memref<10000x128xf32, #tpu.memory_space<hbm>> -> memref<10000x128xf32, #tpu.memory_space<hbm>>
      tpu.wait_indirect_dma semaphore(%arg12 : memref<!tpu.dma_semaphore, #tpu.memory_space<semaphore_mem>>) src(%dma_wait3A_421 : memref<10000x128xf32, #tpu.memory_space<hbm>>) dst(%dma_wait3A_411 : memref<128x128xf32, #tpu.memory_space<vmem>>)
      %run_scoped3A_422 = arith.constant 0 : i32
      %run_scoped3A_423 = arith.constant 4 : i32
      "tpu.region"() ({
        %run_scoped3A_524 = tpu.sem_alloc : memref<!tpu.dma_semaphore, #tpu.memory_space<semaphore_mem>>
        %dma_start3A_525 = arith.constant 0 : i32
        %dma_start3A_526 = arith.constant 0 : i32
        %dma_start3A_527 = tpu.memref_slice %arg9[%run_scoped3A_422, %dma_start3A_525, %dma_start3A_526] : memref<2x128x128xf32, #tpu.memory_space<vmem>> -> memref<1x128x128xf32, #tpu.memory_space<vmem>>
        %dma_start3A_528 = tpu.memref_squeeze %dma_start3A_527 : memref<1x128x128xf32, #tpu.memory_space<vmem>> -> memref<128x128xf32, #tpu.memory_space<vmem>>
        %dma_start3A_529 = arith.constant 0 : i32
        %dma_start3A_530 = arith.constant 0 : i32
        %dma_start3A_531 = tpu.memref_slice %arg8[%select_n3A_261, %dma_start3A_529, %dma_start3A_530] : memref<2x8x128xi32, #tpu.memory_space<vmem>> -> memref<1x8x128xi32, #tpu.memory_space<vmem>>
        %dma_start3A_532 = tpu.memref_squeeze %dma_start3A_531 : memref<1x8x128xi32, #tpu.memory_space<vmem>> -> memref<8x128xi32, #tpu.memory_space<vmem>>
        %dma_start3A_533 = arith.constant 0 : i32
        %dma_start3A_534 = tpu.memref_slice %dma_start3A_532[%run_scoped3A_423, %dma_start3A_533] : memref<8x128xi32, #tpu.memory_space<vmem>> -> memref<1x128xi32, #tpu.memory_space<vmem>>
        %dma_start3A_535 = tpu.memref_squeeze %dma_start3A_534 : memref<1x128xi32, #tpu.memory_space<vmem>> -> memref<128xi32, #tpu.memory_space<vmem>>
        %dma_start3A_536 = arith.constant 0 : i32
        %dma_start3A_537 = arith.constant 0 : i32
        %dma_start3A_538 = tpu.memref_slice %arg11[%dma_start3A_536, %dma_start3A_537] : memref<10112x128xf32, #tpu.memory_space<vmem_shared>> -> memref<10112x128xf32, #tpu.memory_space<vmem_shared>>
        tpu.enqueue_indirect_dma source(%dma_start3A_528 : memref<128x128xf32, #tpu.memory_space<vmem>>) target(%dma_start3A_538 : memref<10112x128xf32, #tpu.memory_space<vmem_shared>>) offsets(%dma_start3A_535 : memref<128xi32, #tpu.memory_space<vmem>>) semaphore(%run_scoped3A_524 : memref<!tpu.dma_semaphore, #tpu.memory_space<semaphore_mem>>) {add = true}
        %dma_wait3A_539 = arith.constant 0 : i32
        %dma_wait3A_540 = arith.constant 0 : i32
        %dma_wait3A_541 = tpu.memref_slice %arg9[%run_scoped3A_422, %dma_wait3A_539, %dma_wait3A_540] : memref<2x128x128xf32, #tpu.memory_space<vmem>> -> memref<1x128x128xf32, #tpu.memory_space<vmem>>
        %dma_wait3A_542 = tpu.memref_squeeze %dma_wait3A_541 : memref<1x128x128xf32, #tpu.memory_space<vmem>> -> memref<128x128xf32, #tpu.memory_space<vmem>>
        %dma_wait3A_543 = arith.constant 0 : i32
        %dma_wait3A_544 = arith.constant 0 : i32
        %dma_wait3A_545 = tpu.memref_slice %arg8[%select_n3A_261, %dma_wait3A_543, %dma_wait3A_544] : memref<2x8x128xi32, #tpu.memory_space<vmem>> -> memref<1x8x128xi32, #tpu.memory_space<vmem>>
        %dma_wait3A_546 = tpu.memref_squeeze %dma_wait3A_545 : memref<1x8x128xi32, #tpu.memory_space<vmem>> -> memref<8x128xi32, #tpu.memory_space<vmem>>
        %dma_wait3A_547 = arith.constant 0 : i32
        %dma_wait3A_548 = tpu.memref_slice %dma_wait3A_546[%run_scoped3A_423, %dma_wait3A_547] : memref<8x128xi32, #tpu.memory_space<vmem>> -> memref<1x128xi32, #tpu.memory_space<vmem>>
        %dma_wait3A_549 = tpu.memref_squeeze %dma_wait3A_548 : memref<1x128xi32, #tpu.memory_space<vmem>> -> memref<128xi32, #tpu.memory_space<vmem>>
        %dma_wait3A_550 = arith.constant 0 : i32
        %dma_wait3A_551 = arith.constant 0 : i32
        %dma_wait3A_552 = tpu.memref_slice %arg11[%dma_wait3A_550, %dma_wait3A_551] : memref<10112x128xf32, #tpu.memory_space<vmem_shared>> -> memref<10112x128xf32, #tpu.memory_space<vmem_shared>>
        tpu.wait_indirect_dma semaphore(%run_scoped3A_524 : memref<!tpu.dma_semaphore, #tpu.memory_space<semaphore_mem>>) src(%dma_wait3A_542 : memref<128x128xf32, #tpu.memory_space<vmem>>) dst(%dma_wait3A_552 : memref<10112x128xf32, #tpu.memory_space<vmem_shared>>)
        tpu.yield
      }) : () -> ()
      %dma_start3A_424 = arith.constant 6 : i32
      %dma_start3A_425 = arith.constant 0 : i32
      %dma_start3A_426 = arith.constant 0 : i32
      %dma_start3A_427 = arith.constant 0 : i32
      %dma_start3A_428 = tpu.memref_slice %arg9[%dma_start3A_425, %dma_start3A_426, %dma_start3A_427] : memref<2x128x128xf32, #tpu.memory_space<vmem>> -> memref<1x128x128xf32, #tpu.memory_space<vmem>>
      %dma_start3A_429 = tpu.memref_squeeze %dma_start3A_428 : memref<1x128x128xf32, #tpu.memory_space<vmem>> -> memref<128x128xf32, #tpu.memory_space<vmem>>
      %dma_start3A_430 = arith.constant 0 : i32
      %dma_start3A_431 = arith.constant 0 : i32
      %dma_start3A_432 = tpu.memref_slice %arg7[%select_n3A_261, %dma_start3A_430, %dma_start3A_431] : memref<2x8x128xi32, #tpu.memory_space<vmem>> -> memref<1x8x128xi32, #tpu.memory_space<vmem>>
      %dma_start3A_433 = tpu.memref_squeeze %dma_start3A_432 : memref<1x8x128xi32, #tpu.memory_space<vmem>> -> memref<8x128xi32, #tpu.memory_space<vmem>>
      %dma_start3A_434 = arith.constant 0 : i32
      %dma_start3A_435 = tpu.memref_slice %dma_start3A_433[%dma_start3A_424, %dma_start3A_434] : memref<8x128xi32, #tpu.memory_space<vmem>> -> memref<1x128xi32, #tpu.memory_space<vmem>>
      %dma_start3A_436 = tpu.memref_squeeze %dma_start3A_435 : memref<1x128xi32, #tpu.memory_space<vmem>> -> memref<128xi32, #tpu.memory_space<vmem>>
      %dma_start3A_437 = arith.constant 0 : i32
      %dma_start3A_438 = arith.constant 0 : i32
      %dma_start3A_439 = tpu.memref_slice %arg2[%dma_start3A_437, %dma_start3A_438] : memref<10000x128xf32, #tpu.memory_space<hbm>> -> memref<10000x128xf32, #tpu.memory_space<hbm>>
      tpu.enqueue_indirect_dma source(%dma_start3A_439 : memref<10000x128xf32, #tpu.memory_space<hbm>>) target(%dma_start3A_429 : memref<128x128xf32, #tpu.memory_space<vmem>>) offsets(%dma_start3A_436 : memref<128xi32, #tpu.memory_space<vmem>>) semaphore(%arg12 : memref<!tpu.dma_semaphore, #tpu.memory_space<semaphore_mem>>)
      %dma_wait3A_440 = arith.constant 5 : i32
      %dma_wait3A_441 = arith.constant 1 : i32
      %dma_wait3A_442 = arith.constant 0 : i32
      %dma_wait3A_443 = arith.constant 0 : i32
      %dma_wait3A_444 = tpu.memref_slice %arg9[%dma_wait3A_441, %dma_wait3A_442, %dma_wait3A_443] : memref<2x128x128xf32, #tpu.memory_space<vmem>> -> memref<1x128x128xf32, #tpu.memory_space<vmem>>
      %dma_wait3A_445 = tpu.memref_squeeze %dma_wait3A_444 : memref<1x128x128xf32, #tpu.memory_space<vmem>> -> memref<128x128xf32, #tpu.memory_space<vmem>>
      %dma_wait3A_446 = arith.constant 0 : i32
      %dma_wait3A_447 = arith.constant 0 : i32
      %dma_wait3A_448 = tpu.memref_slice %arg7[%select_n3A_261, %dma_wait3A_446, %dma_wait3A_447] : memref<2x8x128xi32, #tpu.memory_space<vmem>> -> memref<1x8x128xi32, #tpu.memory_space<vmem>>
      %dma_wait3A_449 = tpu.memref_squeeze %dma_wait3A_448 : memref<1x8x128xi32, #tpu.memory_space<vmem>> -> memref<8x128xi32, #tpu.memory_space<vmem>>
      %dma_wait3A_450 = arith.constant 0 : i32
      %dma_wait3A_451 = tpu.memref_slice %dma_wait3A_449[%dma_wait3A_440, %dma_wait3A_450] : memref<8x128xi32, #tpu.memory_space<vmem>> -> memref<1x128xi32, #tpu.memory_space<vmem>>
      %dma_wait3A_452 = tpu.memref_squeeze %dma_wait3A_451 : memref<1x128xi32, #tpu.memory_space<vmem>> -> memref<128xi32, #tpu.memory_space<vmem>>
      %dma_wait3A_453 = arith.constant 0 : i32
      %dma_wait3A_454 = arith.constant 0 : i32
      %dma_wait3A_455 = tpu.memref_slice %arg2[%dma_wait3A_453, %dma_wait3A_454] : memref<10000x128xf32, #tpu.memory_space<hbm>> -> memref<10000x128xf32, #tpu.memory_space<hbm>>
      tpu.wait_indirect_dma semaphore(%arg13 : memref<!tpu.dma_semaphore, #tpu.memory_space<semaphore_mem>>) src(%dma_wait3A_455 : memref<10000x128xf32, #tpu.memory_space<hbm>>) dst(%dma_wait3A_445 : memref<128x128xf32, #tpu.memory_space<vmem>>)
      %run_scoped3A_456 = arith.constant 1 : i32
      %run_scoped3A_457 = arith.constant 5 : i32
      "tpu.region"() ({
        %run_scoped3A_524 = tpu.sem_alloc : memref<!tpu.dma_semaphore, #tpu.memory_space<semaphore_mem>>
        %dma_start3A_525 = arith.constant 0 : i32
        %dma_start3A_526 = arith.constant 0 : i32
        %dma_start3A_527 = tpu.memref_slice %arg9[%run_scoped3A_456, %dma_start3A_525, %dma_start3A_526] : memref<2x128x128xf32, #tpu.memory_space<vmem>> -> memref<1x128x128xf32, #tpu.memory_space<vmem>>
        %dma_start3A_528 = tpu.memref_squeeze %dma_start3A_527 : memref<1x128x128xf32, #tpu.memory_space<vmem>> -> memref<128x128xf32, #tpu.memory_space<vmem>>
        %dma_start3A_529 = arith.constant 0 : i32
        %dma_start3A_530 = arith.constant 0 : i32
        %dma_start3A_531 = tpu.memref_slice %arg8[%select_n3A_261, %dma_start3A_529, %dma_start3A_530] : memref<2x8x128xi32, #tpu.memory_space<vmem>> -> memref<1x8x128xi32, #tpu.memory_space<vmem>>
        %dma_start3A_532 = tpu.memref_squeeze %dma_start3A_531 : memref<1x8x128xi32, #tpu.memory_space<vmem>> -> memref<8x128xi32, #tpu.memory_space<vmem>>
        %dma_start3A_533 = arith.constant 0 : i32
        %dma_start3A_534 = tpu.memref_slice %dma_start3A_532[%run_scoped3A_457, %dma_start3A_533] : memref<8x128xi32, #tpu.memory_space<vmem>> -> memref<1x128xi32, #tpu.memory_space<vmem>>
        %dma_start3A_535 = tpu.memref_squeeze %dma_start3A_534 : memref<1x128xi32, #tpu.memory_space<vmem>> -> memref<128xi32, #tpu.memory_space<vmem>>
        %dma_start3A_536 = arith.constant 0 : i32
        %dma_start3A_537 = arith.constant 0 : i32
        %dma_start3A_538 = tpu.memref_slice %arg11[%dma_start3A_536, %dma_start3A_537] : memref<10112x128xf32, #tpu.memory_space<vmem_shared>> -> memref<10112x128xf32, #tpu.memory_space<vmem_shared>>
        tpu.enqueue_indirect_dma source(%dma_start3A_528 : memref<128x128xf32, #tpu.memory_space<vmem>>) target(%dma_start3A_538 : memref<10112x128xf32, #tpu.memory_space<vmem_shared>>) offsets(%dma_start3A_535 : memref<128xi32, #tpu.memory_space<vmem>>) semaphore(%run_scoped3A_524 : memref<!tpu.dma_semaphore, #tpu.memory_space<semaphore_mem>>) {add = true}
        %dma_wait3A_539 = arith.constant 0 : i32
        %dma_wait3A_540 = arith.constant 0 : i32
        %dma_wait3A_541 = tpu.memref_slice %arg9[%run_scoped3A_456, %dma_wait3A_539, %dma_wait3A_540] : memref<2x128x128xf32, #tpu.memory_space<vmem>> -> memref<1x128x128xf32, #tpu.memory_space<vmem>>
        %dma_wait3A_542 = tpu.memref_squeeze %dma_wait3A_541 : memref<1x128x128xf32, #tpu.memory_space<vmem>> -> memref<128x128xf32, #tpu.memory_space<vmem>>
        %dma_wait3A_543 = arith.constant 0 : i32
        %dma_wait3A_544 = arith.constant 0 : i32
        %dma_wait3A_545 = tpu.memref_slice %arg8[%select_n3A_261, %dma_wait3A_543, %dma_wait3A_544] : memref<2x8x128xi32, #tpu.memory_space<vmem>> -> memref<1x8x128xi32, #tpu.memory_space<vmem>>
        %dma_wait3A_546 = tpu.memref_squeeze %dma_wait3A_545 : memref<1x8x128xi32, #tpu.memory_space<vmem>> -> memref<8x128xi32, #tpu.memory_space<vmem>>
        %dma_wait3A_547 = arith.constant 0 : i32
        %dma_wait3A_548 = tpu.memref_slice %dma_wait3A_546[%run_scoped3A_457, %dma_wait3A_547] : memref<8x128xi32, #tpu.memory_space<vmem>> -> memref<1x128xi32, #tpu.memory_space<vmem>>
        %dma_wait3A_549 = tpu.memref_squeeze %dma_wait3A_548 : memref<1x128xi32, #tpu.memory_space<vmem>> -> memref<128xi32, #tpu.memory_space<vmem>>
        %dma_wait3A_550 = arith.constant 0 : i32
        %dma_wait3A_551 = arith.constant 0 : i32
        %dma_wait3A_552 = tpu.memref_slice %arg11[%dma_wait3A_550, %dma_wait3A_551] : memref<10112x128xf32, #tpu.memory_space<vmem_shared>> -> memref<10112x128xf32, #tpu.memory_space<vmem_shared>>
        tpu.wait_indirect_dma semaphore(%run_scoped3A_524 : memref<!tpu.dma_semaphore, #tpu.memory_space<semaphore_mem>>) src(%dma_wait3A_542 : memref<128x128xf32, #tpu.memory_space<vmem>>) dst(%dma_wait3A_552 : memref<10112x128xf32, #tpu.memory_space<vmem_shared>>)
        tpu.yield
      }) : () -> ()
      %dma_start3A_458 = arith.constant 7 : i32
      %dma_start3A_459 = arith.constant 1 : i32
      %dma_start3A_460 = arith.constant 0 : i32
      %dma_start3A_461 = arith.constant 0 : i32
      %dma_start3A_462 = tpu.memref_slice %arg9[%dma_start3A_459, %dma_start3A_460, %dma_start3A_461] : memref<2x128x128xf32, #tpu.memory_space<vmem>> -> memref<1x128x128xf32, #tpu.memory_space<vmem>>
      %dma_start3A_463 = tpu.memref_squeeze %dma_start3A_462 : memref<1x128x128xf32, #tpu.memory_space<vmem>> -> memref<128x128xf32, #tpu.memory_space<vmem>>
      %dma_start3A_464 = arith.constant 0 : i32
      %dma_start3A_465 = arith.constant 0 : i32
      %dma_start3A_466 = tpu.memref_slice %arg7[%select_n3A_261, %dma_start3A_464, %dma_start3A_465] : memref<2x8x128xi32, #tpu.memory_space<vmem>> -> memref<1x8x128xi32, #tpu.memory_space<vmem>>
      %dma_start3A_467 = tpu.memref_squeeze %dma_start3A_466 : memref<1x8x128xi32, #tpu.memory_space<vmem>> -> memref<8x128xi32, #tpu.memory_space<vmem>>
      %dma_start3A_468 = arith.constant 0 : i32
      %dma_start3A_469 = tpu.memref_slice %dma_start3A_467[%dma_start3A_458, %dma_start3A_468] : memref<8x128xi32, #tpu.memory_space<vmem>> -> memref<1x128xi32, #tpu.memory_space<vmem>>
      %dma_start3A_470 = tpu.memref_squeeze %dma_start3A_469 : memref<1x128xi32, #tpu.memory_space<vmem>> -> memref<128xi32, #tpu.memory_space<vmem>>
      %dma_start3A_471 = arith.constant 0 : i32
      %dma_start3A_472 = arith.constant 0 : i32
      %dma_start3A_473 = tpu.memref_slice %arg2[%dma_start3A_471, %dma_start3A_472] : memref<10000x128xf32, #tpu.memory_space<hbm>> -> memref<10000x128xf32, #tpu.memory_space<hbm>>
      tpu.enqueue_indirect_dma source(%dma_start3A_473 : memref<10000x128xf32, #tpu.memory_space<hbm>>) target(%dma_start3A_463 : memref<128x128xf32, #tpu.memory_space<vmem>>) offsets(%dma_start3A_470 : memref<128xi32, #tpu.memory_space<vmem>>) semaphore(%arg13 : memref<!tpu.dma_semaphore, #tpu.memory_space<semaphore_mem>>)
      %dma_wait3A_474 = arith.constant 6 : i32
      %dma_wait3A_475 = arith.constant 0 : i32
      %dma_wait3A_476 = arith.constant 0 : i32
      %dma_wait3A_477 = arith.constant 0 : i32
      %dma_wait3A_478 = tpu.memref_slice %arg9[%dma_wait3A_475, %dma_wait3A_476, %dma_wait3A_477] : memref<2x128x128xf32, #tpu.memory_space<vmem>> -> memref<1x128x128xf32, #tpu.memory_space<vmem>>
      %dma_wait3A_479 = tpu.memref_squeeze %dma_wait3A_478 : memref<1x128x128xf32, #tpu.memory_space<vmem>> -> memref<128x128xf32, #tpu.memory_space<vmem>>
      %dma_wait3A_480 = arith.constant 0 : i32
      %dma_wait3A_481 = arith.constant 0 : i32
      %dma_wait3A_482 = tpu.memref_slice %arg7[%select_n3A_261, %dma_wait3A_480, %dma_wait3A_481] : memref<2x8x128xi32, #tpu.memory_space<vmem>> -> memref<1x8x128xi32, #tpu.memory_space<vmem>>
      %dma_wait3A_483 = tpu.memref_squeeze %dma_wait3A_482 : memref<1x8x128xi32, #tpu.memory_space<vmem>> -> memref<8x128xi32, #tpu.memory_space<vmem>>
      %dma_wait3A_484 = arith.constant 0 : i32
      %dma_wait3A_485 = tpu.memref_slice %dma_wait3A_483[%dma_wait3A_474, %dma_wait3A_484] : memref<8x128xi32, #tpu.memory_space<vmem>> -> memref<1x128xi32, #tpu.memory_space<vmem>>
      %dma_wait3A_486 = tpu.memref_squeeze %dma_wait3A_485 : memref<1x128xi32, #tpu.memory_space<vmem>> -> memref<128xi32, #tpu.memory_space<vmem>>
      %dma_wait3A_487 = arith.constant 0 : i32
      %dma_wait3A_488 = arith.constant 0 : i32
      %dma_wait3A_489 = tpu.memref_slice %arg2[%dma_wait3A_487, %dma_wait3A_488] : memref<10000x128xf32, #tpu.memory_space<hbm>> -> memref<10000x128xf32, #tpu.memory_space<hbm>>
      tpu.wait_indirect_dma semaphore(%arg12 : memref<!tpu.dma_semaphore, #tpu.memory_space<semaphore_mem>>) src(%dma_wait3A_489 : memref<10000x128xf32, #tpu.memory_space<hbm>>) dst(%dma_wait3A_479 : memref<128x128xf32, #tpu.memory_space<vmem>>)
      %run_scoped3A_490 = arith.constant 0 : i32
      %run_scoped3A_491 = arith.constant 6 : i32
      "tpu.region"() ({
        %run_scoped3A_524 = tpu.sem_alloc : memref<!tpu.dma_semaphore, #tpu.memory_space<semaphore_mem>>
        %dma_start3A_525 = arith.constant 0 : i32
        %dma_start3A_526 = arith.constant 0 : i32
        %dma_start3A_527 = tpu.memref_slice %arg9[%run_scoped3A_490, %dma_start3A_525, %dma_start3A_526] : memref<2x128x128xf32, #tpu.memory_space<vmem>> -> memref<1x128x128xf32, #tpu.memory_space<vmem>>
        %dma_start3A_528 = tpu.memref_squeeze %dma_start3A_527 : memref<1x128x128xf32, #tpu.memory_space<vmem>> -> memref<128x128xf32, #tpu.memory_space<vmem>>
        %dma_start3A_529 = arith.constant 0 : i32
        %dma_start3A_530 = arith.constant 0 : i32
        %dma_start3A_531 = tpu.memref_slice %arg8[%select_n3A_261, %dma_start3A_529, %dma_start3A_530] : memref<2x8x128xi32, #tpu.memory_space<vmem>> -> memref<1x8x128xi32, #tpu.memory_space<vmem>>
        %dma_start3A_532 = tpu.memref_squeeze %dma_start3A_531 : memref<1x8x128xi32, #tpu.memory_space<vmem>> -> memref<8x128xi32, #tpu.memory_space<vmem>>
        %dma_start3A_533 = arith.constant 0 : i32
        %dma_start3A_534 = tpu.memref_slice %dma_start3A_532[%run_scoped3A_491, %dma_start3A_533] : memref<8x128xi32, #tpu.memory_space<vmem>> -> memref<1x128xi32, #tpu.memory_space<vmem>>
        %dma_start3A_535 = tpu.memref_squeeze %dma_start3A_534 : memref<1x128xi32, #tpu.memory_space<vmem>> -> memref<128xi32, #tpu.memory_space<vmem>>
        %dma_start3A_536 = arith.constant 0 : i32
        %dma_start3A_537 = arith.constant 0 : i32
        %dma_start3A_538 = tpu.memref_slice %arg11[%dma_start3A_536, %dma_start3A_537] : memref<10112x128xf32, #tpu.memory_space<vmem_shared>> -> memref<10112x128xf32, #tpu.memory_space<vmem_shared>>
        tpu.enqueue_indirect_dma source(%dma_start3A_528 : memref<128x128xf32, #tpu.memory_space<vmem>>) target(%dma_start3A_538 : memref<10112x128xf32, #tpu.memory_space<vmem_shared>>) offsets(%dma_start3A_535 : memref<128xi32, #tpu.memory_space<vmem>>) semaphore(%run_scoped3A_524 : memref<!tpu.dma_semaphore, #tpu.memory_space<semaphore_mem>>) {add = true}
        %dma_wait3A_539 = arith.constant 0 : i32
        %dma_wait3A_540 = arith.constant 0 : i32
        %dma_wait3A_541 = tpu.memref_slice %arg9[%run_scoped3A_490, %dma_wait3A_539, %dma_wait3A_540] : memref<2x128x128xf32, #tpu.memory_space<vmem>> -> memref<1x128x128xf32, #tpu.memory_space<vmem>>
        %dma_wait3A_542 = tpu.memref_squeeze %dma_wait3A_541 : memref<1x128x128xf32, #tpu.memory_space<vmem>> -> memref<128x128xf32, #tpu.memory_space<vmem>>
        %dma_wait3A_543 = arith.constant 0 : i32
        %dma_wait3A_544 = arith.constant 0 : i32
        %dma_wait3A_545 = tpu.memref_slice %arg8[%select_n3A_261, %dma_wait3A_543, %dma_wait3A_544] : memref<2x8x128xi32, #tpu.memory_space<vmem>> -> memref<1x8x128xi32, #tpu.memory_space<vmem>>
        %dma_wait3A_546 = tpu.memref_squeeze %dma_wait3A_545 : memref<1x8x128xi32, #tpu.memory_space<vmem>> -> memref<8x128xi32, #tpu.memory_space<vmem>>
        %dma_wait3A_547 = arith.constant 0 : i32
        %dma_wait3A_548 = tpu.memref_slice %dma_wait3A_546[%run_scoped3A_491, %dma_wait3A_547] : memref<8x128xi32, #tpu.memory_space<vmem>> -> memref<1x128xi32, #tpu.memory_space<vmem>>
        %dma_wait3A_549 = tpu.memref_squeeze %dma_wait3A_548 : memref<1x128xi32, #tpu.memory_space<vmem>> -> memref<128xi32, #tpu.memory_space<vmem>>
        %dma_wait3A_550 = arith.constant 0 : i32
        %dma_wait3A_551 = arith.constant 0 : i32
        %dma_wait3A_552 = tpu.memref_slice %arg11[%dma_wait3A_550, %dma_wait3A_551] : memref<10112x128xf32, #tpu.memory_space<vmem_shared>> -> memref<10112x128xf32, #tpu.memory_space<vmem_shared>>
        tpu.wait_indirect_dma semaphore(%run_scoped3A_524 : memref<!tpu.dma_semaphore, #tpu.memory_space<semaphore_mem>>) src(%dma_wait3A_542 : memref<128x128xf32, #tpu.memory_space<vmem>>) dst(%dma_wait3A_552 : memref<10112x128xf32, #tpu.memory_space<vmem_shared>>)
        tpu.yield
      }) : () -> ()
      %lt3A_492 = arith.constant 9 : i32
      %lt3A_493 = arith.cmpi slt, %scan3A_251, %lt3A_492 : i32
      %convert_element_type3A = arith.extui %lt3A_493 : i1 to i32
      %cond3A = arith.constant 0 : i32
      %cond3A_494 = arith.cmpi ne, %convert_element_type3A, %cond3A : i32
      scf.if %cond3A_494 {
        %add3A_524 = arith.constant 1 : i32
        %add3A_525 = arith.addi %scan3A_251, %add3A_524 : i32
        %dma_wait3A_526 = arith.constant 0 : i32
        %dma_wait3A_527 = arith.constant 0 : i32
        %dma_wait3A_528 = tpu.memref_slice %arg7[%sub3A_262, %dma_wait3A_526, %dma_wait3A_527] : memref<2x8x128xi32, #tpu.memory_space<vmem>> -> memref<1x8x128xi32, #tpu.memory_space<vmem>>
        %dma_wait3A_529 = tpu.memref_squeeze %dma_wait3A_528 : memref<1x8x128xi32, #tpu.memory_space<vmem>> -> memref<8x128xi32, #tpu.memory_space<vmem>>
        %dma_wait3A_530 = arith.constant 0 : i32
        %dma_wait3A_531 = arith.constant 0 : i32
        %dma_wait3A_532 = arith.constant 0 : i32
        %dma_wait3A_533 = tpu.memref_slice %arg3[%add3A, %dma_wait3A_530, %dma_wait3A_531, %dma_wait3A_532] : memref<32x10x8x128xi32, #tpu.memory_space<hbm>> -> memref<1x10x8x128xi32, #tpu.memory_space<hbm>>
        %dma_wait3A_534 = tpu.memref_squeeze %dma_wait3A_533 : memref<1x10x8x128xi32, #tpu.memory_space<hbm>> -> memref<10x8x128xi32, #tpu.memory_space<hbm>>
        %dma_wait3A_535 = arith.constant 0 : i32
        %dma_wait3A_536 = arith.constant 0 : i32
        %dma_wait3A_537 = tpu.memref_slice %dma_wait3A_534[%add3A_525, %dma_wait3A_535, %dma_wait3A_536] : memref<10x8x128xi32, #tpu.memory_space<hbm>> -> memref<1x8x128xi32, #tpu.memory_space<hbm>>
        %dma_wait3A_538 = tpu.memref_squeeze %dma_wait3A_537 : memref<1x8x128xi32, #tpu.memory_space<hbm>> -> memref<8x128xi32, #tpu.memory_space<hbm>>
        %dma_wait3A_539 = arith.constant 0 : i32
        %dma_wait3A_540 = arith.constant 0 : i32
        %dma_wait3A_541 = tpu.memref_slice %arg7[%sub3A_262, %dma_wait3A_539, %dma_wait3A_540] : memref<2x8x128xi32, #tpu.memory_space<vmem>> -> memref<1x8x128xi32, #tpu.memory_space<vmem>>
        %dma_wait3A_542 = tpu.memref_squeeze %dma_wait3A_541 : memref<1x8x128xi32, #tpu.memory_space<vmem>> -> memref<8x128xi32, #tpu.memory_space<vmem>>
        %dma_wait3A_543 = arith.constant 0 : i32
        %dma_wait3A_544 = arith.constant 0 : i32
        %dma_wait3A_545 = arith.constant 0 : i32
        %dma_wait3A_546 = tpu.memref_slice %arg3[%add3A, %dma_wait3A_543, %dma_wait3A_544, %dma_wait3A_545] : memref<32x10x8x128xi32, #tpu.memory_space<hbm>> -> memref<1x10x8x128xi32, #tpu.memory_space<hbm>>
        %dma_wait3A_547 = tpu.memref_squeeze %dma_wait3A_546 : memref<1x10x8x128xi32, #tpu.memory_space<hbm>> -> memref<10x8x128xi32, #tpu.memory_space<hbm>>
        %dma_wait3A_548 = arith.constant 0 : i32
        %dma_wait3A_549 = arith.constant 0 : i32
        %dma_wait3A_550 = tpu.memref_slice %dma_wait3A_547[%add3A_525, %dma_wait3A_548, %dma_wait3A_549] : memref<10x8x128xi32, #tpu.memory_space<hbm>> -> memref<1x8x128xi32, #tpu.memory_space<hbm>>
        %dma_wait3A_551 = tpu.memref_squeeze %dma_wait3A_550 : memref<1x8x128xi32, #tpu.memory_space<hbm>> -> memref<8x128xi32, #tpu.memory_space<hbm>>
        tpu.wait_dma2 semaphore(%arg14 : memref<!tpu.dma_semaphore, #tpu.memory_space<semaphore_mem>>) src(%dma_wait3A_551 : memref<8x128xi32, #tpu.memory_space<hbm>>) dst(%dma_wait3A_542 : memref<8x128xi32, #tpu.memory_space<vmem>>)
        %add3A_552 = arith.constant 1 : i32
        %add3A_553 = arith.addi %scan3A_251, %add3A_552 : i32
        %dma_wait3A_554 = arith.constant 0 : i32
        %dma_wait3A_555 = arith.constant 0 : i32
        %dma_wait3A_556 = tpu.memref_slice %arg8[%sub3A_262, %dma_wait3A_554, %dma_wait3A_555] : memref<2x8x128xi32, #tpu.memory_space<vmem>> -> memref<1x8x128xi32, #tpu.memory_space<vmem>>
        %dma_wait3A_557 = tpu.memref_squeeze %dma_wait3A_556 : memref<1x8x128xi32, #tpu.memory_space<vmem>> -> memref<8x128xi32, #tpu.memory_space<vmem>>
        %dma_wait3A_558 = arith.constant 0 : i32
        %dma_wait3A_559 = arith.constant 0 : i32
        %dma_wait3A_560 = arith.constant 0 : i32
        %dma_wait3A_561 = tpu.memref_slice %arg4[%add3A, %dma_wait3A_558, %dma_wait3A_559, %dma_wait3A_560] : memref<32x10x8x128xi32, #tpu.memory_space<hbm>> -> memref<1x10x8x128xi32, #tpu.memory_space<hbm>>
        %dma_wait3A_562 = tpu.memref_squeeze %dma_wait3A_561 : memref<1x10x8x128xi32, #tpu.memory_space<hbm>> -> memref<10x8x128xi32, #tpu.memory_space<hbm>>
        %dma_wait3A_563 = arith.constant 0 : i32
        %dma_wait3A_564 = arith.constant 0 : i32
        %dma_wait3A_565 = tpu.memref_slice %dma_wait3A_562[%add3A_553, %dma_wait3A_563, %dma_wait3A_564] : memref<10x8x128xi32, #tpu.memory_space<hbm>> -> memref<1x8x128xi32, #tpu.memory_space<hbm>>
        %dma_wait3A_566 = tpu.memref_squeeze %dma_wait3A_565 : memref<1x8x128xi32, #tpu.memory_space<hbm>> -> memref<8x128xi32, #tpu.memory_space<hbm>>
        %dma_wait3A_567 = arith.constant 0 : i32
        %dma_wait3A_568 = arith.constant 0 : i32
        %dma_wait3A_569 = tpu.memref_slice %arg8[%sub3A_262, %dma_wait3A_567, %dma_wait3A_568] : memref<2x8x128xi32, #tpu.memory_space<vmem>> -> memref<1x8x128xi32, #tpu.memory_space<vmem>>
        %dma_wait3A_570 = tpu.memref_squeeze %dma_wait3A_569 : memref<1x8x128xi32, #tpu.memory_space<vmem>> -> memref<8x128xi32, #tpu.memory_space<vmem>>
        %dma_wait3A_571 = arith.constant 0 : i32
        %dma_wait3A_572 = arith.constant 0 : i32
        %dma_wait3A_573 = arith.constant 0 : i32
        %dma_wait3A_574 = tpu.memref_slice %arg4[%add3A, %dma_wait3A_571, %dma_wait3A_572, %dma_wait3A_573] : memref<32x10x8x128xi32, #tpu.memory_space<hbm>> -> memref<1x10x8x128xi32, #tpu.memory_space<hbm>>
        %dma_wait3A_575 = tpu.memref_squeeze %dma_wait3A_574 : memref<1x10x8x128xi32, #tpu.memory_space<hbm>> -> memref<10x8x128xi32, #tpu.memory_space<hbm>>
        %dma_wait3A_576 = arith.constant 0 : i32
        %dma_wait3A_577 = arith.constant 0 : i32
        %dma_wait3A_578 = tpu.memref_slice %dma_wait3A_575[%add3A_553, %dma_wait3A_576, %dma_wait3A_577] : memref<10x8x128xi32, #tpu.memory_space<hbm>> -> memref<1x8x128xi32, #tpu.memory_space<hbm>>
        %dma_wait3A_579 = tpu.memref_squeeze %dma_wait3A_578 : memref<1x8x128xi32, #tpu.memory_space<hbm>> -> memref<8x128xi32, #tpu.memory_space<hbm>>
        tpu.wait_dma2 semaphore(%arg14 : memref<!tpu.dma_semaphore, #tpu.memory_space<semaphore_mem>>) src(%dma_wait3A_579 : memref<8x128xi32, #tpu.memory_space<hbm>>) dst(%dma_wait3A_570 : memref<8x128xi32, #tpu.memory_space<vmem>>)
        %dma_start3A_580 = arith.constant 0 : i32
        %dma_start3A_581 = arith.constant 0 : i32
        %dma_start3A_582 = arith.constant 0 : i32
        %dma_start3A_583 = arith.constant 0 : i32
        %dma_start3A_584 = tpu.memref_slice %arg9[%dma_start3A_581, %dma_start3A_582, %dma_start3A_583] : memref<2x128x128xf32, #tpu.memory_space<vmem>> -> memref<1x128x128xf32, #tpu.memory_space<vmem>>
        %dma_start3A_585 = tpu.memref_squeeze %dma_start3A_584 : memref<1x128x128xf32, #tpu.memory_space<vmem>> -> memref<128x128xf32, #tpu.memory_space<vmem>>
        %dma_start3A_586 = arith.constant 0 : i32
        %dma_start3A_587 = arith.constant 0 : i32
        %dma_start3A_588 = tpu.memref_slice %arg7[%sub3A_262, %dma_start3A_586, %dma_start3A_587] : memref<2x8x128xi32, #tpu.memory_space<vmem>> -> memref<1x8x128xi32, #tpu.memory_space<vmem>>
        %dma_start3A_589 = tpu.memref_squeeze %dma_start3A_588 : memref<1x8x128xi32, #tpu.memory_space<vmem>> -> memref<8x128xi32, #tpu.memory_space<vmem>>
        %dma_start3A_590 = arith.constant 0 : i32
        %dma_start3A_591 = tpu.memref_slice %dma_start3A_589[%dma_start3A_580, %dma_start3A_590] : memref<8x128xi32, #tpu.memory_space<vmem>> -> memref<1x128xi32, #tpu.memory_space<vmem>>
        %dma_start3A_592 = tpu.memref_squeeze %dma_start3A_591 : memref<1x128xi32, #tpu.memory_space<vmem>> -> memref<128xi32, #tpu.memory_space<vmem>>
        %dma_start3A_593 = arith.constant 0 : i32
        %dma_start3A_594 = arith.constant 0 : i32
        %dma_start3A_595 = tpu.memref_slice %arg2[%dma_start3A_593, %dma_start3A_594] : memref<10000x128xf32, #tpu.memory_space<hbm>> -> memref<10000x128xf32, #tpu.memory_space<hbm>>
        tpu.enqueue_indirect_dma source(%dma_start3A_595 : memref<10000x128xf32, #tpu.memory_space<hbm>>) target(%dma_start3A_585 : memref<128x128xf32, #tpu.memory_space<vmem>>) offsets(%dma_start3A_592 : memref<128xi32, #tpu.memory_space<vmem>>) semaphore(%arg12 : memref<!tpu.dma_semaphore, #tpu.memory_space<semaphore_mem>>)
      } else {
      }
      %dma_wait3A_495 = arith.constant 7 : i32
      %dma_wait3A_496 = arith.constant 1 : i32
      %dma_wait3A_497 = arith.constant 0 : i32
      %dma_wait3A_498 = arith.constant 0 : i32
      %dma_wait3A_499 = tpu.memref_slice %arg9[%dma_wait3A_496, %dma_wait3A_497, %dma_wait3A_498] : memref<2x128x128xf32, #tpu.memory_space<vmem>> -> memref<1x128x128xf32, #tpu.memory_space<vmem>>
      %dma_wait3A_500 = tpu.memref_squeeze %dma_wait3A_499 : memref<1x128x128xf32, #tpu.memory_space<vmem>> -> memref<128x128xf32, #tpu.memory_space<vmem>>
      %dma_wait3A_501 = arith.constant 0 : i32
      %dma_wait3A_502 = arith.constant 0 : i32
      %dma_wait3A_503 = tpu.memref_slice %arg7[%select_n3A_261, %dma_wait3A_501, %dma_wait3A_502] : memref<2x8x128xi32, #tpu.memory_space<vmem>> -> memref<1x8x128xi32, #tpu.memory_space<vmem>>
      %dma_wait3A_504 = tpu.memref_squeeze %dma_wait3A_503 : memref<1x8x128xi32, #tpu.memory_space<vmem>> -> memref<8x128xi32, #tpu.memory_space<vmem>>
      %dma_wait3A_505 = arith.constant 0 : i32
      %dma_wait3A_506 = tpu.memref_slice %dma_wait3A_504[%dma_wait3A_495, %dma_wait3A_505] : memref<8x128xi32, #tpu.memory_space<vmem>> -> memref<1x128xi32, #tpu.memory_space<vmem>>
      %dma_wait3A_507 = tpu.memref_squeeze %dma_wait3A_506 : memref<1x128xi32, #tpu.memory_space<vmem>> -> memref<128xi32, #tpu.memory_space<vmem>>
      %dma_wait3A_508 = arith.constant 0 : i32
      %dma_wait3A_509 = arith.constant 0 : i32
      %dma_wait3A_510 = tpu.memref_slice %arg2[%dma_wait3A_508, %dma_wait3A_509] : memref<10000x128xf32, #tpu.memory_space<hbm>> -> memref<10000x128xf32, #tpu.memory_space<hbm>>
      tpu.wait_indirect_dma semaphore(%arg13 : memref<!tpu.dma_semaphore, #tpu.memory_space<semaphore_mem>>) src(%dma_wait3A_510 : memref<10000x128xf32, #tpu.memory_space<hbm>>) dst(%dma_wait3A_500 : memref<128x128xf32, #tpu.memory_space<vmem>>)
      %run_scoped3A_511 = arith.constant 1 : i32
      %run_scoped3A_512 = arith.constant 7 : i32
      "tpu.region"() ({
        %run_scoped3A_524 = tpu.sem_alloc : memref<!tpu.dma_semaphore, #tpu.memory_space<semaphore_mem>>
        %dma_start3A_525 = arith.constant 0 : i32
        %dma_start3A_526 = arith.constant 0 : i32
        %dma_start3A_527 = tpu.memref_slice %arg9[%run_scoped3A_511, %dma_start3A_525, %dma_start3A_526] : memref<2x128x128xf32, #tpu.memory_space<vmem>> -> memref<1x128x128xf32, #tpu.memory_space<vmem>>
        %dma_start3A_528 = tpu.memref_squeeze %dma_start3A_527 : memref<1x128x128xf32, #tpu.memory_space<vmem>> -> memref<128x128xf32, #tpu.memory_space<vmem>>
        %dma_start3A_529 = arith.constant 0 : i32
        %dma_start3A_530 = arith.constant 0 : i32
        %dma_start3A_531 = tpu.memref_slice %arg8[%select_n3A_261, %dma_start3A_529, %dma_start3A_530] : memref<2x8x128xi32, #tpu.memory_space<vmem>> -> memref<1x8x128xi32, #tpu.memory_space<vmem>>
        %dma_start3A_532 = tpu.memref_squeeze %dma_start3A_531 : memref<1x8x128xi32, #tpu.memory_space<vmem>> -> memref<8x128xi32, #tpu.memory_space<vmem>>
        %dma_start3A_533 = arith.constant 0 : i32
        %dma_start3A_534 = tpu.memref_slice %dma_start3A_532[%run_scoped3A_512, %dma_start3A_533] : memref<8x128xi32, #tpu.memory_space<vmem>> -> memref<1x128xi32, #tpu.memory_space<vmem>>
        %dma_start3A_535 = tpu.memref_squeeze %dma_start3A_534 : memref<1x128xi32, #tpu.memory_space<vmem>> -> memref<128xi32, #tpu.memory_space<vmem>>
        %dma_start3A_536 = arith.constant 0 : i32
        %dma_start3A_537 = arith.constant 0 : i32
        %dma_start3A_538 = tpu.memref_slice %arg11[%dma_start3A_536, %dma_start3A_537] : memref<10112x128xf32, #tpu.memory_space<vmem_shared>> -> memref<10112x128xf32, #tpu.memory_space<vmem_shared>>
        tpu.enqueue_indirect_dma source(%dma_start3A_528 : memref<128x128xf32, #tpu.memory_space<vmem>>) target(%dma_start3A_538 : memref<10112x128xf32, #tpu.memory_space<vmem_shared>>) offsets(%dma_start3A_535 : memref<128xi32, #tpu.memory_space<vmem>>) semaphore(%run_scoped3A_524 : memref<!tpu.dma_semaphore, #tpu.memory_space<semaphore_mem>>) {add = true}
        %dma_wait3A_539 = arith.constant 0 : i32
        %dma_wait3A_540 = arith.constant 0 : i32
        %dma_wait3A_541 = tpu.memref_slice %arg9[%run_scoped3A_511, %dma_wait3A_539, %dma_wait3A_540] : memref<2x128x128xf32, #tpu.memory_space<vmem>> -> memref<1x128x128xf32, #tpu.memory_space<vmem>>
        %dma_wait3A_542 = tpu.memref_squeeze %dma_wait3A_541 : memref<1x128x128xf32, #tpu.memory_space<vmem>> -> memref<128x128xf32, #tpu.memory_space<vmem>>
        %dma_wait3A_543 = arith.constant 0 : i32
        %dma_wait3A_544 = arith.constant 0 : i32
        %dma_wait3A_545 = tpu.memref_slice %arg8[%select_n3A_261, %dma_wait3A_543, %dma_wait3A_544] : memref<2x8x128xi32, #tpu.memory_space<vmem>> -> memref<1x8x128xi32, #tpu.memory_space<vmem>>
        %dma_wait3A_546 = tpu.memref_squeeze %dma_wait3A_545 : memref<1x8x128xi32, #tpu.memory_space<vmem>> -> memref<8x128xi32, #tpu.memory_space<vmem>>
        %dma_wait3A_547 = arith.constant 0 : i32
        %dma_wait3A_548 = tpu.memref_slice %dma_wait3A_546[%run_scoped3A_512, %dma_wait3A_547] : memref<8x128xi32, #tpu.memory_space<vmem>> -> memref<1x128xi32, #tpu.memory_space<vmem>>
        %dma_wait3A_549 = tpu.memref_squeeze %dma_wait3A_548 : memref<1x128xi32, #tpu.memory_space<vmem>> -> memref<128xi32, #tpu.memory_space<vmem>>
        %dma_wait3A_550 = arith.constant 0 : i32
        %dma_wait3A_551 = arith.constant 0 : i32
        %dma_wait3A_552 = tpu.memref_slice %arg11[%dma_wait3A_550, %dma_wait3A_551] : memref<10112x128xf32, #tpu.memory_space<vmem_shared>> -> memref<10112x128xf32, #tpu.memory_space<vmem_shared>>
        tpu.wait_indirect_dma semaphore(%run_scoped3A_524 : memref<!tpu.dma_semaphore, #tpu.memory_space<semaphore_mem>>) src(%dma_wait3A_542 : memref<128x128xf32, #tpu.memory_space<vmem>>) dst(%dma_wait3A_552 : memref<10112x128xf32, #tpu.memory_space<vmem_shared>>)
        tpu.yield
      }) : () -> ()
      %lt3A_513 = arith.constant 9 : i32
      %lt3A_514 = arith.cmpi slt, %scan3A_251, %lt3A_513 : i32
      %convert_element_type3A_515 = arith.extui %lt3A_514 : i1 to i32
      %cond3A_516 = arith.constant 0 : i32
      %cond3A_517 = arith.cmpi ne, %convert_element_type3A_515, %cond3A_516 : i32
      scf.if %cond3A_517 {
        %dma_start3A_524 = arith.constant 1 : i32
        %dma_start3A_525 = arith.constant 1 : i32
        %dma_start3A_526 = arith.constant 0 : i32
        %dma_start3A_527 = arith.constant 0 : i32
        %dma_start3A_528 = tpu.memref_slice %arg9[%dma_start3A_525, %dma_start3A_526, %dma_start3A_527] : memref<2x128x128xf32, #tpu.memory_space<vmem>> -> memref<1x128x128xf32, #tpu.memory_space<vmem>>
        %dma_start3A_529 = tpu.memref_squeeze %dma_start3A_528 : memref<1x128x128xf32, #tpu.memory_space<vmem>> -> memref<128x128xf32, #tpu.memory_space<vmem>>
        %dma_start3A_530 = arith.constant 0 : i32
        %dma_start3A_531 = arith.constant 0 : i32
        %dma_start3A_532 = tpu.memref_slice %arg7[%sub3A_262, %dma_start3A_530, %dma_start3A_531] : memref<2x8x128xi32, #tpu.memory_space<vmem>> -> memref<1x8x128xi32, #tpu.memory_space<vmem>>
        %dma_start3A_533 = tpu.memref_squeeze %dma_start3A_532 : memref<1x8x128xi32, #tpu.memory_space<vmem>> -> memref<8x128xi32, #tpu.memory_space<vmem>>
        %dma_start3A_534 = arith.constant 0 : i32
        %dma_start3A_535 = tpu.memref_slice %dma_start3A_533[%dma_start3A_524, %dma_start3A_534] : memref<8x128xi32, #tpu.memory_space<vmem>> -> memref<1x128xi32, #tpu.memory_space<vmem>>
        %dma_start3A_536 = tpu.memref_squeeze %dma_start3A_535 : memref<1x128xi32, #tpu.memory_space<vmem>> -> memref<128xi32, #tpu.memory_space<vmem>>
        %dma_start3A_537 = arith.constant 0 : i32
        %dma_start3A_538 = arith.constant 0 : i32
        %dma_start3A_539 = tpu.memref_slice %arg2[%dma_start3A_537, %dma_start3A_538] : memref<10000x128xf32, #tpu.memory_space<hbm>> -> memref<10000x128xf32, #tpu.memory_space<hbm>>
        tpu.enqueue_indirect_dma source(%dma_start3A_539 : memref<10000x128xf32, #tpu.memory_space<hbm>>) target(%dma_start3A_529 : memref<128x128xf32, #tpu.memory_space<vmem>>) offsets(%dma_start3A_536 : memref<128xi32, #tpu.memory_space<vmem>>) semaphore(%arg13 : memref<!tpu.dma_semaphore, #tpu.memory_space<semaphore_mem>>)
      } else {
      }
      %lt3A_518 = arith.constant 8 : i32
      %lt3A_519 = arith.cmpi slt, %scan3A_251, %lt3A_518 : i32
      %convert_element_type3A_520 = arith.extui %lt3A_519 : i1 to i32
      %cond3A_521 = arith.constant 0 : i32
      %cond3A_522 = arith.cmpi ne, %convert_element_type3A_520, %cond3A_521 : i32
      scf.if %cond3A_522 {
        %add3A_524 = arith.constant 2 : i32
        %add3A_525 = arith.addi %scan3A_251, %add3A_524 : i32
        %dma_start3A_526 = arith.constant 0 : i32
        %dma_start3A_527 = arith.constant 0 : i32
        %dma_start3A_528 = tpu.memref_slice %arg7[%select_n3A_261, %dma_start3A_526, %dma_start3A_527] : memref<2x8x128xi32, #tpu.memory_space<vmem>> -> memref<1x8x128xi32, #tpu.memory_space<vmem>>
        %dma_start3A_529 = tpu.memref_squeeze %dma_start3A_528 : memref<1x8x128xi32, #tpu.memory_space<vmem>> -> memref<8x128xi32, #tpu.memory_space<vmem>>
        %dma_start3A_530 = arith.constant 0 : i32
        %dma_start3A_531 = arith.constant 0 : i32
        %dma_start3A_532 = arith.constant 0 : i32
        %dma_start3A_533 = tpu.memref_slice %arg3[%add3A, %dma_start3A_530, %dma_start3A_531, %dma_start3A_532] : memref<32x10x8x128xi32, #tpu.memory_space<hbm>> -> memref<1x10x8x128xi32, #tpu.memory_space<hbm>>
        %dma_start3A_534 = tpu.memref_squeeze %dma_start3A_533 : memref<1x10x8x128xi32, #tpu.memory_space<hbm>> -> memref<10x8x128xi32, #tpu.memory_space<hbm>>
        %dma_start3A_535 = arith.constant 0 : i32
        %dma_start3A_536 = arith.constant 0 : i32
        %dma_start3A_537 = tpu.memref_slice %dma_start3A_534[%add3A_525, %dma_start3A_535, %dma_start3A_536] : memref<10x8x128xi32, #tpu.memory_space<hbm>> -> memref<1x8x128xi32, #tpu.memory_space<hbm>>
        %dma_start3A_538 = tpu.memref_squeeze %dma_start3A_537 : memref<1x8x128xi32, #tpu.memory_space<hbm>> -> memref<8x128xi32, #tpu.memory_space<hbm>>
        %dma_start3A_539 = arith.constant 0 : i32
        %dma_start3A_540 = arith.constant 0 : i32
        %dma_start3A_541 = tpu.memref_slice %arg7[%select_n3A_261, %dma_start3A_539, %dma_start3A_540] : memref<2x8x128xi32, #tpu.memory_space<vmem>> -> memref<1x8x128xi32, #tpu.memory_space<vmem>>
        %dma_start3A_542 = tpu.memref_squeeze %dma_start3A_541 : memref<1x8x128xi32, #tpu.memory_space<vmem>> -> memref<8x128xi32, #tpu.memory_space<vmem>>
        %dma_start3A_543 = arith.constant 0 : i32
        %dma_start3A_544 = arith.constant 0 : i32
        %dma_start3A_545 = arith.constant 0 : i32
        %dma_start3A_546 = tpu.memref_slice %arg3[%add3A, %dma_start3A_543, %dma_start3A_544, %dma_start3A_545] : memref<32x10x8x128xi32, #tpu.memory_space<hbm>> -> memref<1x10x8x128xi32, #tpu.memory_space<hbm>>
        %dma_start3A_547 = tpu.memref_squeeze %dma_start3A_546 : memref<1x10x8x128xi32, #tpu.memory_space<hbm>> -> memref<10x8x128xi32, #tpu.memory_space<hbm>>
        %dma_start3A_548 = arith.constant 0 : i32
        %dma_start3A_549 = arith.constant 0 : i32
        %dma_start3A_550 = tpu.memref_slice %dma_start3A_547[%add3A_525, %dma_start3A_548, %dma_start3A_549] : memref<10x8x128xi32, #tpu.memory_space<hbm>> -> memref<1x8x128xi32, #tpu.memory_space<hbm>>
        %dma_start3A_551 = tpu.memref_squeeze %dma_start3A_550 : memref<1x8x128xi32, #tpu.memory_space<hbm>> -> memref<8x128xi32, #tpu.memory_space<hbm>>
        tpu.enqueue_dma source(%dma_start3A_551 : memref<8x128xi32, #tpu.memory_space<hbm>>) target(%dma_start3A_542 : memref<8x128xi32, #tpu.memory_space<vmem>>) target_semaphore(%arg14 : memref<!tpu.dma_semaphore, #tpu.memory_space<semaphore_mem>>)
        %add3A_552 = arith.constant 2 : i32
        %add3A_553 = arith.addi %scan3A_251, %add3A_552 : i32
        %dma_start3A_554 = arith.constant 0 : i32
        %dma_start3A_555 = arith.constant 0 : i32
        %dma_start3A_556 = tpu.memref_slice %arg8[%select_n3A_261, %dma_start3A_554, %dma_start3A_555] : memref<2x8x128xi32, #tpu.memory_space<vmem>> -> memref<1x8x128xi32, #tpu.memory_space<vmem>>
        %dma_start3A_557 = tpu.memref_squeeze %dma_start3A_556 : memref<1x8x128xi32, #tpu.memory_space<vmem>> -> memref<8x128xi32, #tpu.memory_space<vmem>>
        %dma_start3A_558 = arith.constant 0 : i32
        %dma_start3A_559 = arith.constant 0 : i32
        %dma_start3A_560 = arith.constant 0 : i32
        %dma_start3A_561 = tpu.memref_slice %arg4[%add3A, %dma_start3A_558, %dma_start3A_559, %dma_start3A_560] : memref<32x10x8x128xi32, #tpu.memory_space<hbm>> -> memref<1x10x8x128xi32, #tpu.memory_space<hbm>>
        %dma_start3A_562 = tpu.memref_squeeze %dma_start3A_561 : memref<1x10x8x128xi32, #tpu.memory_space<hbm>> -> memref<10x8x128xi32, #tpu.memory_space<hbm>>
        %dma_start3A_563 = arith.constant 0 : i32
        %dma_start3A_564 = arith.constant 0 : i32
        %dma_start3A_565 = tpu.memref_slice %dma_start3A_562[%add3A_553, %dma_start3A_563, %dma_start3A_564] : memref<10x8x128xi32, #tpu.memory_space<hbm>> -> memref<1x8x128xi32, #tpu.memory_space<hbm>>
        %dma_start3A_566 = tpu.memref_squeeze %dma_start3A_565 : memref<1x8x128xi32, #tpu.memory_space<hbm>> -> memref<8x128xi32, #tpu.memory_space<hbm>>
        %dma_start3A_567 = arith.constant 0 : i32
        %dma_start3A_568 = arith.constant 0 : i32
        %dma_start3A_569 = tpu.memref_slice %arg8[%select_n3A_261, %dma_start3A_567, %dma_start3A_568] : memref<2x8x128xi32, #tpu.memory_space<vmem>> -> memref<1x8x128xi32, #tpu.memory_space<vmem>>
        %dma_start3A_570 = tpu.memref_squeeze %dma_start3A_569 : memref<1x8x128xi32, #tpu.memory_space<vmem>> -> memref<8x128xi32, #tpu.memory_space<vmem>>
        %dma_start3A_571 = arith.constant 0 : i32
        %dma_start3A_572 = arith.constant 0 : i32
        %dma_start3A_573 = arith.constant 0 : i32
        %dma_start3A_574 = tpu.memref_slice %arg4[%add3A, %dma_start3A_571, %dma_start3A_572, %dma_start3A_573] : memref<32x10x8x128xi32, #tpu.memory_space<hbm>> -> memref<1x10x8x128xi32, #tpu.memory_space<hbm>>
        %dma_start3A_575 = tpu.memref_squeeze %dma_start3A_574 : memref<1x10x8x128xi32, #tpu.memory_space<hbm>> -> memref<10x8x128xi32, #tpu.memory_space<hbm>>
        %dma_start3A_576 = arith.constant 0 : i32
        %dma_start3A_577 = arith.constant 0 : i32
        %dma_start3A_578 = tpu.memref_slice %dma_start3A_575[%add3A_553, %dma_start3A_576, %dma_start3A_577] : memref<10x8x128xi32, #tpu.memory_space<hbm>> -> memref<1x8x128xi32, #tpu.memory_space<hbm>>
        %dma_start3A_579 = tpu.memref_squeeze %dma_start3A_578 : memref<1x8x128xi32, #tpu.memory_space<hbm>> -> memref<8x128xi32, #tpu.memory_space<hbm>>
        tpu.enqueue_dma source(%dma_start3A_579 : memref<8x128xi32, #tpu.memory_space<hbm>>) target(%dma_start3A_570 : memref<8x128xi32, #tpu.memory_space<vmem>>) target_semaphore(%arg14 : memref<!tpu.dma_semaphore, #tpu.memory_space<semaphore_mem>>)
      } else {
      }
      %scan3A_523 = arith.constant 0 : i32
      scf.yield %scan3A_523 : i32
    }
    %scan3A_245 = arith.constant 10 : i32
    %barrier3A_246 = arith.constant 0 : index
    tpu.barrier barrier_id(%barrier3A_246)
    %mul3A_247 = arith.constant 632 : i32
    %mul3A_248 = arith.muli %arg1, %mul3A_247 : i32
    %mul3A_249 = arith.constant 632 : i32
    %mul3A_250 = arith.muli %arg1, %mul3A_249 : i32
    "tpu.region"() ({
      %run_scoped3A_251 = tpu.sem_alloc : memref<!tpu.dma_semaphore, #tpu.memory_space<semaphore_mem>>
      %dma_start3A_252 = arith.constant 0 : i32
      %dma_start3A_253 = tpu.memref_slice %arg5[%arg0, %mul3A_250, %dma_start3A_252] : memref<2x10112x128xf32, #tpu.memory_space<hbm>> -> memref<1x632x128xf32, #tpu.memory_space<hbm>>
      %dma_start3A_254 = tpu.memref_squeeze %dma_start3A_253 : memref<1x632x128xf32, #tpu.memory_space<hbm>> -> memref<632x128xf32, #tpu.memory_space<hbm>>
      %dma_start3A_255 = arith.constant 0 : i32
      %dma_start3A_256 = tpu.memref_slice %arg11[%mul3A_248, %dma_start3A_255] : memref<10112x128xf32, #tpu.memory_space<vmem_shared>> -> memref<632x128xf32, #tpu.memory_space<vmem_shared>>
      tpu.enqueue_dma source(%dma_start3A_256 : memref<632x128xf32, #tpu.memory_space<vmem_shared>>) target(%dma_start3A_254 : memref<632x128xf32, #tpu.memory_space<hbm>>) target_semaphore(%run_scoped3A_251 : memref<!tpu.dma_semaphore, #tpu.memory_space<semaphore_mem>>)
      %dma_wait3A_257 = arith.constant 0 : i32
      %dma_wait3A_258 = tpu.memref_slice %arg5[%arg0, %mul3A_250, %dma_wait3A_257] : memref<2x10112x128xf32, #tpu.memory_space<hbm>> -> memref<1x632x128xf32, #tpu.memory_space<hbm>>
      %dma_wait3A_259 = tpu.memref_squeeze %dma_wait3A_258 : memref<1x632x128xf32, #tpu.memory_space<hbm>> -> memref<632x128xf32, #tpu.memory_space<hbm>>
      %dma_wait3A_260 = arith.constant 0 : i32
      %dma_wait3A_261 = tpu.memref_slice %arg11[%mul3A_248, %dma_wait3A_260] : memref<10112x128xf32, #tpu.memory_space<vmem_shared>> -> memref<632x128xf32, #tpu.memory_space<vmem_shared>>
      tpu.wait_dma2 semaphore(%run_scoped3A_251 : memref<!tpu.dma_semaphore, #tpu.memory_space<semaphore_mem>>) src(%dma_wait3A_261 : memref<632x128xf32, #tpu.memory_space<vmem_shared>>) dst(%dma_wait3A_259 : memref<632x128xf32, #tpu.memory_space<hbm>>)
      tpu.yield
    }) : () -> ()
    "tpu.region"() ({
      %run_scoped3A_251 = tpu.sem_alloc : memref<!tpu.dma_semaphore, #tpu.memory_space<semaphore_mem>>
      %dma_start3A_252 = arith.constant 0 : i32
      %dma_start3A_253 = tpu.memref_slice %arg6[%add3A, %dma_start3A_252] : memref<32x10112xf32, #tpu.memory_space<hbm>> -> memref<1x10112xf32, #tpu.memory_space<hbm>>
      %dma_start3A_254 = tpu.memref_squeeze %dma_start3A_253 : memref<1x10112xf32, #tpu.memory_space<hbm>> -> memref<10112xf32, #tpu.memory_space<hbm>>
      %dma_start3A_255 = arith.constant 0 : i32
      %dma_start3A_256 = tpu.memref_slice %arg6[%add3A, %dma_start3A_255] : memref<32x10112xf32, #tpu.memory_space<hbm>> -> memref<1x10112xf32, #tpu.memory_space<hbm>>
      %dma_start3A_257 = tpu.memref_squeeze %dma_start3A_256 : memref<1x10112xf32, #tpu.memory_space<hbm>> -> memref<10112xf32, #tpu.memory_space<hbm>>
      tpu.enqueue_dma source(%arg10 : memref<10112xf32, #tpu.memory_space<vmem>>) target(%dma_start3A_257 : memref<10112xf32, #tpu.memory_space<hbm>>) target_semaphore(%run_scoped3A_251 : memref<!tpu.dma_semaphore, #tpu.memory_space<semaphore_mem>>)
      %dma_wait3A_258 = arith.constant 0 : i32
      %dma_wait3A_259 = tpu.memref_slice %arg6[%add3A, %dma_wait3A_258] : memref<32x10112xf32, #tpu.memory_space<hbm>> -> memref<1x10112xf32, #tpu.memory_space<hbm>>
      %dma_wait3A_260 = tpu.memref_squeeze %dma_wait3A_259 : memref<1x10112xf32, #tpu.memory_space<hbm>> -> memref<10112xf32, #tpu.memory_space<hbm>>
      %dma_wait3A_261 = arith.constant 0 : i32
      %dma_wait3A_262 = tpu.memref_slice %arg6[%add3A, %dma_wait3A_261] : memref<32x10112xf32, #tpu.memory_space<hbm>> -> memref<1x10112xf32, #tpu.memory_space<hbm>>
      %dma_wait3A_263 = tpu.memref_squeeze %dma_wait3A_262 : memref<1x10112xf32, #tpu.memory_space<hbm>> -> memref<10112xf32, #tpu.memory_space<hbm>>
      tpu.wait_dma2 semaphore(%run_scoped3A_251 : memref<!tpu.dma_semaphore, #tpu.memory_space<semaphore_mem>>) src(%arg10 : memref<10112xf32, #tpu.memory_space<vmem>>) dst(%dma_wait3A_263 : memref<10112xf32, #tpu.memory_space<hbm>>)
      tpu.yield
    }) : () -> ()
    return
  }
}

module attributes {stable_mosaic.version = 14 : i64} {
  func.func @_msg_body(%arg0: i32, %arg1: memref<1000x128xf32, #tpu.memory_space<vmem>>, %arg2: memref<128x128xf32, #tpu.memory_space<vmem>>, %arg3: memref<1x128xf32, #tpu.memory_space<vmem>>, %arg4: memref<1000x128xf32, #tpu.memory_space<vmem>>) attributes {dimension_semantics = [#tpu.dimension_semantics<arbitrary>], iteration_bounds = array<i64: 10>, scalar_prefetch = 0 : i64, scratch_operands = 0 : i64, tpu.core_type = #tpu.core_type<tc>, window_params = [{transform_indices = @transform_0, window_bounds = array<i64: 1000, 128>}, {pipeline_mode = #tpu.pipeline_mode<synchronous>, transform_indices = @transform_1, window_bounds = array<i64: 128, 128>}, {pipeline_mode = #tpu.pipeline_mode<synchronous>, transform_indices = @transform_2, window_bounds = array<i64: 1, 128>}, {transform_indices = @transform_3, window_bounds = array<i64: 1000, 128>}]} {
    %get3A = arith.constant 0 : index
    %get3A_0 = arith.constant 0 : index
    %get3A_1 = vector.load %arg1[%get3A, %get3A_0] : memref<1000x128xf32, #tpu.memory_space<vmem>>, vector<1000x128xf32>
    %get3A_2 = arith.constant 0 : index
    %get3A_3 = arith.constant 0 : index
    %get3A_4 = vector.load %arg2[%get3A_2, %get3A_3] : memref<128x128xf32, #tpu.memory_space<vmem>>, vector<128x128xf32>
    %dot_general3A = arith.constant dense<0.000000e+00> : vector<1000x128xf32>
    %dot_general3A_5 = tpu.matmul %get3A_1, %get3A_4, %dot_general3A {dimension_numbers = #tpu.dot_dimension_numbers<[1], [1], [0], [0], [0, 0, 1, 0], [], []>, precision = #tpu.contract_precision<fp32>, transpose_lhs_hint = false} : vector<1000x128xf32>, vector<128x128xf32>, vector<1000x128xf32> -> vector<1000x128xf32>
    %get3A_6 = arith.constant 0 : index
    %get3A_7 = arith.constant 0 : index
    %get3A_8 = vector.load %arg3[%get3A_6, %get3A_7] : memref<1x128xf32, #tpu.memory_space<vmem>>, vector<1x128xf32>
    %add3A = vector.broadcast %get3A_8 : vector<1x128xf32> to vector<1000x128xf32>
    %add3A_9 = arith.addf %dot_general3A_5, %add3A : vector<1000x128xf32>
    %max3A = arith.constant 0.000000e+00 : f32
    %max3A_10 = vector.broadcast %max3A : f32 to vector<1000x128xf32>
    %max3A_11 = arith.maximumf %add3A_9, %max3A_10 : vector<1000x128xf32>
    %swap3A = arith.constant 0 : index
    %swap3A_12 = arith.constant 0 : index
    %swap3A_13 = vector.load %arg4[%swap3A, %swap3A_12] : memref<1000x128xf32, #tpu.memory_space<vmem>>, vector<1000x128xf32>
    tpu.vector_store %arg4[%swap3A, %swap3A_12], %max3A_11 {strides = array<i32>} : memref<1000x128xf32, #tpu.memory_space<vmem>>, vector<1000x128xf32>,
    return
  }
  func.func @transform_0(%arg0: i32) -> (i32, i32) {
    %c0_i32 = arith.constant 0 : i32
    %c0_i32_0 = arith.constant 0 : i32
    return %arg0, %c0_i32 : i32, i32
  }
  func.func @transform_1(%arg0: i32) -> (i32, i32) {
    %c0_i32 = arith.constant 0 : i32
    %c0_i32_0 = arith.constant 0 : i32
    %c0_i32_1 = arith.constant 0 : i32
    return %c0_i32, %c0_i32_0 : i32, i32
  }
  func.func @transform_2(%arg0: i32) -> (i32, i32) {
    %c0_i32 = arith.constant 0 : i32
    %c0_i32_0 = arith.constant 0 : i32
    %c0_i32_1 = arith.constant 0 : i32
    return %c0_i32, %c0_i32_0 : i32, i32
  }
  func.func @transform_3(%arg0: i32) -> (i32, i32) {
    %c0_i32 = arith.constant 0 : i32
    %c0_i32_0 = arith.constant 0 : i32
    return %arg0, %c0_i32 : i32, i32
  }
}

module attributes {stable_mosaic.version = 14 : i64} {
  func.func @_fin_body(%arg0: i32, %arg1: memref<1x1000x128xf32, #tpu.memory_space<vmem>>, %arg2: memref<1x1000x128xf32, #tpu.memory_space<vmem>>, %arg3: memref<1000x32xf32, #tpu.memory_space<vmem>>, %arg4: memref<1000x128xf32, #tpu.memory_space<vmem>>, %arg5: memref<128x128xf32, #tpu.memory_space<vmem>>, %arg6: memref<1x128xf32, #tpu.memory_space<vmem>>, %arg7: memref<1000x128xf32, #tpu.memory_space<vmem>>) attributes {dimension_semantics = [#tpu.dimension_semantics<arbitrary>], iteration_bounds = array<i64: 10>, scalar_prefetch = 0 : i64, scratch_operands = 0 : i64, tpu.core_type = #tpu.core_type<tc>, window_params = [{transform_indices = @transform_0, window_bounds = array<i64: 1, 1000, 128>}, {transform_indices = @transform_1, window_bounds = array<i64: 1, 1000, 128>}, {transform_indices = @transform_2, window_bounds = array<i64: 1000, 32>}, {transform_indices = @transform_3, window_bounds = array<i64: 1000, 128>}, {pipeline_mode = #tpu.pipeline_mode<synchronous>, transform_indices = @transform_4, window_bounds = array<i64: 128, 128>}, {pipeline_mode = #tpu.pipeline_mode<synchronous>, transform_indices = @transform_5, window_bounds = array<i64: 1, 128>}, {transform_indices = @transform_6, window_bounds = array<i64: 1000, 128>}]} {
    %get3A = arith.constant 0 : index
    %get3A_0 = arith.constant 0 : index
    %get3A_1 = vector.load %arg3[%get3A, %get3A_0] : memref<1000x32xf32, #tpu.memory_space<vmem>>, vector<1000x32xf32>
    %reduce_sum3A = arith.constant dense<0.000000e+00> : vector<1000xf32>
    %reduce_sum3A_2 = vector.multi_reduction <add>, %get3A_1, %reduce_sum3A [1] : vector<1000x32xf32> to vector<1000xf32>
    %get3A_3 = arith.constant 0 : index
    %get3A_4 = arith.constant 0 : index
    %get3A_5 = arith.constant 0 : index
    %get3A_6 = vector.load %arg1[%get3A_3, %get3A_4, %get3A_5] : memref<1x1000x128xf32, #tpu.memory_space<vmem>>, vector<1x1000x128xf32>
    %get3A_7 = vector.shape_cast %get3A_6 : vector<1x1000x128xf32> to vector<1000x128xf32>
    %get3A_8 = arith.constant 0 : index
    %get3A_9 = arith.constant 0 : index
    %get3A_10 = arith.constant 0 : index
    %get3A_11 = vector.load %arg2[%get3A_8, %get3A_9, %get3A_10] : memref<1x1000x128xf32, #tpu.memory_space<vmem>>, vector<1x1000x128xf32>
    %get3A_12 = vector.shape_cast %get3A_11 : vector<1x1000x128xf32> to vector<1000x128xf32>
    %add3A = arith.addf %get3A_7, %get3A_12 : vector<1000x128xf32>
    %gt3A = arith.constant 0.000000e+00 : f32
    %gt3A_13 = vector.broadcast %gt3A : f32 to vector<1000xf32>
    %gt3A_14 = arith.cmpf ogt, %reduce_sum3A_2, %gt3A_13 : vector<1000xf32>
    %broadcast_in_dim3A = vector.shape_cast %gt3A_14 : vector<1000xi1> to vector<1000x1xi1>
    %get3A_15 = arith.constant 0 : index
    %get3A_16 = arith.constant 0 : index
    %get3A_17 = vector.load %arg4[%get3A_15, %get3A_16] : memref<1000x128xf32, #tpu.memory_space<vmem>>, vector<1000x128xf32>
    %broadcast_in_dim3A_18 = vector.shape_cast %broadcast_in_dim3A : vector<1000x1xi1> to vector<1000x1xi1>
    %broadcast_in_dim3A_19 = vector.broadcast %broadcast_in_dim3A_18 : vector<1000x1xi1> to vector<1000x128xi1>
    %select_n3A = arith.select %broadcast_in_dim3A_19, %add3A, %get3A_17 : vector<1000x128xi1>, vector<1000x128xf32>
    %get3A_20 = arith.constant 0 : index
    %get3A_21 = arith.constant 0 : index
    %get3A_22 = vector.load %arg5[%get3A_20, %get3A_21] : memref<128x128xf32, #tpu.memory_space<vmem>>, vector<128x128xf32>
    %dot_general3A = arith.constant dense<0.000000e+00> : vector<1000x128xf32>
    %dot_general3A_23 = tpu.matmul %select_n3A, %get3A_22, %dot_general3A {dimension_numbers = #tpu.dot_dimension_numbers<[1], [1], [0], [0], [0, 0, 1, 0], [], []>, precision = #tpu.contract_precision<fp32>, transpose_lhs_hint = false} : vector<1000x128xf32>, vector<128x128xf32>, vector<1000x128xf32> -> vector<1000x128xf32>
    %get3A_24 = arith.constant 0 : index
    %get3A_25 = arith.constant 0 : index
    %get3A_26 = vector.load %arg6[%get3A_24, %get3A_25] : memref<1x128xf32, #tpu.memory_space<vmem>>, vector<1x128xf32>
    %add3A_27 = vector.broadcast %get3A_26 : vector<1x128xf32> to vector<1000x128xf32>
    %add3A_28 = arith.addf %dot_general3A_23, %add3A_27 : vector<1000x128xf32>
    %swap3A = arith.constant 0 : index
    %swap3A_29 = arith.constant 0 : index
    %swap3A_30 = vector.load %arg7[%swap3A, %swap3A_29] : memref<1000x128xf32, #tpu.memory_space<vmem>>, vector<1000x128xf32>
    tpu.vector_store %arg7[%swap3A, %swap3A_29], %add3A_28 {strides = array<i32>} : memref<1000x128xf32, #tpu.memory_space<vmem>>, vector<1000x128xf32>,
    return
  }
  func.func @transform_0(%arg0: i32) -> (i32, i32, i32) {
    %c0_i32 = arith.constant 0 : i32
    %c0_i32_0 = arith.constant 0 : i32
    %c0_i32_1 = arith.constant 0 : i32
    return %c0_i32, %arg0, %c0_i32_0 : i32, i32, i32
  }
  func.func @transform_1(%arg0: i32) -> (i32, i32, i32) {
    %c1_i32 = arith.constant 1 : i32
    %c0_i32 = arith.constant 0 : i32
    %c0_i32_0 = arith.constant 0 : i32
    return %c1_i32, %arg0, %c0_i32 : i32, i32, i32
  }
  func.func @transform_2(%arg0: i32) -> (i32, i32) {
    %c0_i32 = arith.constant 0 : i32
    %c0_i32_0 = arith.constant 0 : i32
    return %arg0, %c0_i32 : i32, i32
  }
  func.func @transform_3(%arg0: i32) -> (i32, i32) {
    %c0_i32 = arith.constant 0 : i32
    %c0_i32_0 = arith.constant 0 : i32
    return %arg0, %c0_i32 : i32, i32
  }
  func.func @transform_4(%arg0: i32) -> (i32, i32) {
    %c0_i32 = arith.constant 0 : i32
    %c0_i32_0 = arith.constant 0 : i32
    %c0_i32_1 = arith.constant 0 : i32
    return %c0_i32, %c0_i32_0 : i32, i32
  }
  func.func @transform_5(%arg0: i32) -> (i32, i32) {
    %c0_i32 = arith.constant 0 : i32
    %c0_i32_0 = arith.constant 0 : i32
    %c0_i32_1 = arith.constant 0 : i32
    return %c0_i32, %c0_i32_0 : i32, i32
  }
  func.func @transform_6(%arg0: i32) -> (i32, i32) {
    %c0_i32 = arith.constant 0 : i32
    %c0_i32_0 = arith.constant 0 : i32
    return %arg0, %c0_i32 : i32, i32
  }
}

</mosaic_0001>

<sc_bundles>
// kernel: kernel.5.cloned.1.call-start
scs
__scs_entry_jumppad:
0x0: {  	(pc) =	sbr.rel $0x88, $3  }
0x1: {  	(tag) =	ssettag $0x0;
	lr =	simm.s32 $0x1  }
0x2: {  	[smem:$0x3F9B] =	sst lr;
	_ =	strace $0xD0000000  }
0x3: {  	_ = 	snop  }
0x4: {  	_ = 	snop  }
0x5: {  	_ = 	snop  }
0x6: {  	_ = 	snop  }
0x7: {  	_ = 	snop  }
__scs_overlays_trampoline_lowered:
0x8: {  	[smem:$0x3FAA] =	sst s0  }
0x9: {  	[smem:$0x3FAB] =	sst s1  }
0xa: {  	[smem:$0x3FAC] =	sst s2  }
0xb: {  	[smem:$0x3FAD] =	sst s3  }
0xc: {  	[smem:$0x3FAE] =	sst s4  }
0xd: {  	[smem:$0x3FAF] =	sst s5  }
0xe: {  	[smem:$0x3FB0] =	sst s6  }
0xf: {  	[smem:$0x3FB1] =	sst s7  }
0x10: {  	[smem:$0x3FB2] =	sst s8  }
0x11: {  	[smem:$0x3FB3] =	sst s9;
	s0 =	simm.s32 @!p0 $0x0  }
0x12: {  	s1 =	sld [smem:$0x3F99];
	s0 =	simm.s32 @p0 $0x1  }
0x13: {  	[smem:$0x3FB4] =	sst s0;
	s0 =	simm.s32 @!p1 $0x0  }
0x14: {  	s2 =	sld [smem:$0x3F98];
	s0 =	simm.s32 @p1 $0x1  }
0x15: {  	[smem:$0x3FB5] =	sst s0;
	s0 =	simm.s32 @!p2 $0x0  }
0x16: {  	s3 =	sld [smem:$0x3FDB];
	s0 =	simm.s32 @p2 $0x1  }
0x17: {  	s4 =	simm.s32 $0x1BF5;
	[smem:$0x3FB7] =	sst s0  }
0x18: {  	s0 =	sld [smem:$0x3F9A];
	_ =	swait.ge [sflag:s4], $0x0  }
0x19: {  	s7 =	sld [smem:$0x3F9B]  }
0x1a: {  	s8 =	sadd.s32 $0xFFFFE003, lr  }
0x1b: {  	s9 =	sadd.s32 $0xFFFFFEF7, lr;
	s5 =	simm.s32 $0xFFFFFFFF;
	p2 =	slt.u32 s8, $0xFFFFF086  }
0x1c: {  	p1 =	slt.u32 s9, $0xF7A;
	s5 =	simm.s32 @!p2 $0x0  }
0x1d: {  	s5 =	simm.s32 @p1 $0x1;
	p0 =	seq.s32 s7, s2  }
0x1e: {  	s7 =	smul.u32 @!p0 $0xF7A, s2;
	p2 =	seq.s32 @!p0 s5, $0x0  }
0x1f: {  	s9 =	smul.u32 $0xF7A, s1;
	s8 =	simm.s32 @!p0 $0x1BF5;
	p2 =	por !p2, p0  }
0x20: {  	[sflag:s8] =	ssyncset.s32 @!p0 $0xFFFFF086;
	s6 =	sadd.s32 @!p0 s3, s7;
	s7 =	simm.s32 @!p0 $0x108  }
0x21: {  	s3 =	sadd.s32 s3, s9;
	s6 =	sadd.s32 @!p0 $0x88, s6;
	s7 =	simm.s32 @p2 $0x1082  }
0x22: {  	[simem:s7], [sflag:s8] =	dma.local @!p0 [hbm:s6], $0xF7A  }
0x23: {  	s9 =	sor.u32 $0xD0000000, s2;
	s6 =	simm.s32 $0x108;
	_ =	swait.ge @!p0 [sflag:s8], $0x0  }
0x24: {  	s3 =	sadd.s32 $0x88, s3;
	s6 =	simm.s32 @!p1 $0x1082;
	[sflag:s4] =	ssyncset.s32 $0xFFFFF086  }
0x25: {  	[simem:s6], [sflag:s4] =	dma.local [hbm:s3], $0xF7A  }
0x26: {  	[smem:$0x3F9B] =	sst s1;
	(tag) =	ssettag s2;
	_ =	strace s9  }
0x27: {  	s1 =	sld [smem:$0x3FAB]  }
0x28: {  	s2 =	sld [smem:$0x3FAC]  }
0x29: {  	s4 =	sld [smem:$0x3FAE]  }
0x2a: {  	p0 =	seq.s32 s5, $0x0;
	s5 =	sld [smem:$0x3FAF]  }
0x2b: {  	s6 =	sld [smem:$0x3FB0]  }
0x2c: {  	s7 =	sld [smem:$0x3FB1]  }
0x2d: {  	s3 =	simm.s32 $0x108;
	s8 =	sld [smem:$0x3FB2]  }
0x2e: {  	s3 =	simm.s32 @!p0 $0x1082;
	s9 =	sld [smem:$0x3FB3]  }
0x2f: {  	lr =	sadd.s32 s0, s3;
	s0 =	sld [smem:$0x3FAA]  }
0x30: {  	s3 =	sld [smem:$0x3FAD]  }
0x31: {  	[smem:$0x3FB6] =	sst s10  }
0x32: {  	s10 =	sld [smem:$0x3FB4];
	_ =	sdelay $0x3  }
0x33: {  	p0 =	seq.s32 s10, $0x1;
	s10 =	sld [smem:$0x3FB6];
	_ =	sdelay $0x3  }
0x34: {  	[smem:$0x3FB6] =	sst s10  }
0x35: {  	s10 =	sld [smem:$0x3FB5];
	_ =	sdelay $0x3  }
0x36: {  	p1 =	seq.s32 s10, $0x1;
	s10 =	sld [smem:$0x3FB6];
	_ =	sdelay $0x3  }
0x37: {  	[smem:$0x3FB6] =	sst s10  }
0x38: {  	s10 =	sld [smem:$0x3FB7]  }
0x39: {  	_ = 	snop;
	(pc) =	sbr.ind lr, $3  }
0x3a: {  	_ = 	snop  }
0x3b: {  	_ = 	snop  }
0x3c: {  	p2 =	seq.s32 s10, $0x1;
	s10 =	sld [smem:$0x3FB6]  }
0x3d: {  	_ =	shalt  }
0x3e: {  	_ =	shalt  }
0x3f: {  	_ =	shalt  }
0x40: {  	_ =	shalt  }
0x41: {  	_ =	shalt  }
0x42: {  	_ =	shalt  }
0x43: {  	_ =	shalt  }
0x44: {  	_ =	shalt  }
0x45: {  	_ =	shalt  }
0x46: {  	_ =	shalt  }
0x47: {  	_ =	shalt  }
0x48: {  	_ =	shalt  }
0x49: {  	_ =	shalt  }
0x4a: {  	_ =	shalt  }
0x4b: {  	_ =	shalt  }
0x4c: {  	_ =	shalt  }
0x4d: {  	_ =	shalt  }
0x4e: {  	_ =	shalt  }
0x4f: {  	_ =	shalt  }
0x50: {  	_ =	shalt  }
0x51: {  	_ =	shalt  }
0x52: {  	_ =	shalt  }
0x53: {  	_ =	shalt  }
0x54: {  	_ =	shalt  }
0x55: {  	_ =	shalt  }
0x56: {  	_ =	shalt  }
0x57: {  	_ =	shalt  }
0x58: {  	_ =	shalt  }
0x59: {  	_ =	shalt  }
0x5a: {  	_ =	shalt  }
0x5b: {  	_ =	shalt  }
0x5c: {  	_ =	shalt  }
0x5d: {  	_ =	shalt  }
0x5e: {  	_ =	shalt  }
0x5f: {  	_ =	shalt  }
0x60: {  	_ =	shalt  }
0x61: {  	_ =	shalt  }
0x62: {  	_ =	shalt  }
0x63: {  	_ =	shalt  }
0x64: {  	_ =	shalt  }
0x65: {  	_ =	shalt  }
0x66: {  	_ =	shalt  }
0x67: {  	_ =	shalt  }
0x68: {  	_ =	shalt  }
0x69: {  	_ =	shalt  }
0x6a: {  	_ =	shalt  }
0x6b: {  	_ =	shalt  }
0x6c: {  	_ =	shalt  }
0x6d: {  	_ =	shalt  }
0x6e: {  	_ =	shalt  }
0x6f: {  	_ =	shalt  }
0x70: {  	_ =	shalt  }
0x71: {  	_ =	shalt  }
0x72: {  	_ =	shalt  }
0x73: {  	_ =	shalt  }
0x74: {  	_ =	shalt  }
0x75: {  	_ =	shalt  }
0x76: {  	_ =	shalt  }
0x77: {  	_ =	shalt  }
0x78: {  	_ =	shalt  }
0x79: {  	_ =	shalt  }
0x7a: {  	_ =	shalt  }
0x7b: {  	_ =	shalt  }
0x7c: {  	_ =	shalt  }
0x7d: {  	_ =	shalt  }
0x7e: {  	_ =	shalt  }
0x7f: {  	_ =	shalt  }
0x80: {  	_ =	shalt  }
0x81: {  	_ =	shalt  }
0x82: {  	_ =	shalt  }
0x83: {  	_ =	shalt  }
0x84: {  	_ =	shalt  }
0x85: {  	_ =	shalt  }
0x86: {  	_ =	shalt  }
0x87: {  	_ =	shalt  }
.Lfunc_end0:
.L_simem_size_0:
called_computation_lowered:
.L_overlay_start_0:
0x88: {  	s2 =	sld [smem:$0x3FD9]  }
0x89: {  	s3 =	sld [smem:$0x3FFE];
	_ =	sdelay $0x1  }
0x8a: {  	s1 =	srdreg.scid  }
0x8b: {  	s0 =	sand.u32 $0x1, s1  }
0x8c: {  	s17 =	sshll.u32 s0, $0xA;
	s2 =	sadd.s32 s3, s2  }
0x8d: {  	s2 =	sadd.s32 s2, s17  }
0x8e: {  	[smem:$0x3FC2] =	sst s2  }
0x8f: {  	_ = 	snop  }
0x90: {  	s2 =	sld [smem:$0x3FD0];
	(tm) =	ssettm $0x1  }
0x91: {  	s18 =	sld [smem:$0x3FFB];
	_ =	sdelay $0x3  }
0x92: {  	_ =	strace s18  }
0x93: {  	s3 =	sld [smem:$0x3FFC];
	_ =	sdelay $0x3  }
0x94: {  	_ =	strace s3  }
0x95: {  	s3 =	sld [smem:$0x3FFD];
	_ =	sdelay $0x3  }
0x96: {  	_ =	strace s3  }
0x97: {  	_ =	strace $0x8FFFFFFF  }
0x98: {  	s19 =	sld [smem:$0x3FDB];
	_ =	sdelay $0x1  }
0x99: {  	s4 =	simm.s32 $_scs_section_size  }
0x9a: {  	s5 =	simm.s32 $_size__tile_overlayer_lowered;
	s6 =	simm.s32 $_tile_overlayer_lowered  }
0x9b: {  	s22 =	simm.s32 $0x1BFF;
	s21 =	sshll.u32 s6, $0x1;
	s3 =	sadd.s32 s4, s19  }
0x9c: {  	s7 =	simm.s32 $0x0;
	s20 =	sshll.u32 s5, $0x1;
	s5 =	sadd.s32 s21, s3  }
0x9d: {  	[timem:s7], [sflag:s22] =	dma.local [hbm:s5], s20  }
0x9e: {  	_ =	swait.ge [sflag:s22], s20  }
0x9f: {  	s4 =	ssub.s32 $0x0, s20;
	[sflag:s22] =	ssyncset.done $0x0  }
0xa0: {  	[sflag:s22] =	ssyncadd.s32 s4;
	_ =	sdelay $0x1  }
0xa1: {  	s23 =	simm.s32 $0x1B8B  }
0xa2: {  	_ =	swait.ge [sflag:s23], $0x1  }
0xa3: {  	[sflag:s23] =	ssyncset.done $0x0  }
0xa4: {  	s25 =	simm.s32 $0x1B8E;
	s24 =	sld [smem:$0x3FFE];
	[sflag:s23] =	ssyncadd.s32 $0xFFFFFFFF  }
0xa5: {  	s26 =	simm.s32 $execute0_lowered;
	[smem:$0x3FD2] =	sst s25  }
0xa6: {  	s5 =	sshll.u32 s26, $0x1;
	_ =	strace $0x80000046;
	[dreg:$0x1] =	wrdreg $0xFFFFFFFF  }
0xa7: {  	s28 =	simm.s32 $_size_execute0_lowered;
	s3 =	sadd.s32 s3, s5;
	[dreg:$0x0] =	wrdreg $0x0  }
0xa8: {  	s5 =	sshll.u32 s28, $0x1;
	[dreg:$0x2] =	wrdreg s3  }
0xa9: {  	[dreg:$0x3] =	wrdreg s5  }
0xaa: {  	[dreg:$0x4] =	wrdreg $0xC0  }
0xab: {  	_ =	task [dreg:s7], $0x5FFFF  }
0xac: {  	[dreg:$0x1] =	wrdreg $0xFFFFFFFF  }
0xad: {  	[dreg:$0x0] =	wrdreg $0x60  }
0xae: {  	[dreg:$0x2] =	wrdreg s2  }
0xaf: {  	[dreg:$0x3] =	wrdreg s24  }
0xb0: {  	[dreg:$0x4] =	wrdreg $0xB7800  }
0xb1: {  	[dreg:$0x5] =	wrdreg $0x9  }
0xb2: {  	_ =	task.clear_ibuf [dreg:s7], $0x6FFFF;
	_ =	strace $0x90000046  }
0xb3: {  	s29 =	simm.s32 $0x9;
	_ =	strace $0x80000048  }
0xb4: {  	_ =	swait.ge [sflag:s29], $0x1  }
0xb5: {  	[sflag:s29] =	ssyncadd.s32 $0xFFFFFFFF  }
0xb6: {  	_ =	strace $0x90000048  }
0xb7: {  	_ =	sfence  }
0xb8: {  	s30 =	sld [smem:$0x0];
	_ =	sdelay $0x2  }
0xb9: {  	s31 =	sshll.u32 s1, $0xD;
	s1 =	sshrl.u32 s1, $0x2  }
0xba: {  	s3 =	sand.u32 $0x4000, s31;
	s1 =	sadd.s32 s1, s30  }
0xbb: {  	s0 =	sor.u32 s3, s0;
	s1 =	sshll.u32 s1, $0x11  }
0xbc: {  	s0 =	sor.u32 s1, s0  }
0xbd: {  	s0 =	sadd.s32 $0x8F2B, s0  }
0xbe: {  	[sflag:s0] =	ssyncadd.remote.s32 $0x1  }
0xbf: {  	_ =	sfence.sel $0xFFFF  }
0xc0: {  	[dreg:$0x0] =	wrdreg $0xFFFFFFFF;
	(pc) =	sbr.abs _section_cstart, $3  }
0xc1: {  	[dreg:$0x1] =	wrdreg $0xFFFFFFFF  }
0xc2: {  	_ =	task.clear_ibuf [dreg:s7], $0x2FFFF;
	_ =	strace $0x9FFFFFFF  }
0xc3: {  	(tm) =	ssettm $0x7FFFFFFF  }
tec
execute0_lowered:
.L_overlay_start_1:
0x0: {  	(tag) =	ssettag $0x1  }
0x1: {  	s0 =	srdreg.scid;
	s1 =	rddreg [dreg:$0x0]  }
0x2: {  	s10 =	stileid.u32;
	s5 =	rddreg [dreg:$0x1]  }
0x3: {  	s3 =	rddreg [dreg:$0x2];
	s4 =	simm.s32 $0x0;
	s28 =	simm.s32 $0x9000  }
0x4: {  	s29 =	simm.s32 $0x1;
	s30 =	simm.s32 $0x2;
	s31 =	simm.s32 $0x0  }
0x5: {  	s0 =	sand.u32 $0x1, s0;
	[smem:$0x7FF] =	sst s4;
	s8 =	smul.u32 $0x13C00, s10  }
0x6: {  	s9 =	sshll.u32 s10, $0x7;
	s22 =	smul.u32 $0x4F000, s10;
	s2 =	sshll.u32 s0, $0x4  }
0x7: {  	s7 =	smul.u32 $0x13C000, s0;
	_ =	strace $0x80000047;
	s0 =	ssub.s32 $0x2, s0  }
0x8: {  	s20 =	sand.u32 $0x380, s9;
	s2 =	sor.u32 s10, s2;
	s21 =	sshrl.u32 s0, $0x1  }
0x9: {  	s25 =	sshrl.u32 s22, $0x2;
	s22 =	simm.s32 $0x1000;
	s6 =	smul.u32 $0x500, s2  }
0xa: {  	s2 =	sshrl.u32 s2, $0x3;
	s7 =	sadd.s32 s8, s7;
	s0 =	ssub.s32 s0, s21  }
0xb: {  	s9 =	sadd.s32 s25, s3;
	s25 =	simm.s32 $0x80;
	s2 =	smul.u32 $0x13C00, s2  }
0xc: {  	s7 =	sshrl.u32 s7, $0x3;
	s10 =	sadd.s32 $0x4000, s9;
	s11 =	sadd.s32 $0x8000, s9  }
0xd: {  	s12 =	sadd.s32 $0xC000, s9;
	s13 =	sadd.s32 $0x10000, s9;
	s16 =	smax.u32 s0, $0x1  }
0xe: {  	s6 =	sadd.s32 s6, s5;
	s14 =	sadd.s32 s7, s5;
	s2 =	sor.u32 s20, s2  }
0xf: {  	s23 =	sadd.s32 $0xB400, s6;
	s24 =	sadd.s32 $0x1400, s6;
	s26 =	sadd.s32 $0xB480, s6  }
.Ltmp0:
0x10: {  	s8 =	sadd.s32 $0x1480, s6;
	s14 =	sadd.s32 $0x1F200, s14;
	(pc) =	sbr.rel .LBB2_1-.Ltmp0, $4  }
0x11: {  	s21 =	sadd.s32 $0xB500, s6;
	s19 =	sadd.s32 $0x1500, s6;
	[dreg:$0x4] =	wrdreg s23  }
0x12: {  	s20 =	simm.s32 $0x400;
	s2 =	sshrl.u32 s2, $0x3;
	[dreg:$0x5] =	wrdreg s24  }
0x13: {  	[dreg:$0x6] =	wrdreg s26;
	s23 =	simm.s32 $0x4;
	s2 =	sadd.s32 s2, s5  }
0x14: {  	v0 =	vimm.f32 $0.0e+00;
	v1 =	vimm.f32 $1.000000000e+00;
	s24 =	simm.s32 $0x3;
	s26 =	simm.s32 $0x5000;
	s15 =	sadd.s32 $0x15400, s2  }
.LBB2_7:
0x15: {  	_ =	swait.ge [sflag:s30], $0x4000  }
0x16: {  	[sflag:s30] =	ssyncset.done $0x0  }
0x17: {  	s0 =	sadd.s32 $0xB80, s5;
	[sflag:s30] =	ssyncadd.s32 $0xFFFFC000  }
0x18: {  	[spmem:s3] =	stream.indirect.scatter.add.f32 [tilespmem:s26], [sflag:$0x4], $0x80, s0, s25, $0xb8;
	[tilespmem:$0x1F380] =	vst v63  }
0x19: {  	_ =	swait.ge [sflag:s23], $0x4000  }
0x1a: {  	[sflag:s23] =	ssyncset.done $0x0  }
0x1b: {  	[sflag:s23] =	ssyncadd.s32 $0xFFFFC000  }
.LBB2_9:
0x1c: {  	s0 =	stileid.u32  }
0x1d: {  	s0 =	sshll.u32 s0, $0x6  }
0x1e: {  	[bflag:$0x0] =	sbarrier.arrive $0xFFFF;
	s2 =	sshrl.u32 s9, $0x3;
	s0 =	sor.u32 $0x1C04, s0  }
0x1f: {  	[hbm:s14], [sflag:s0] =	dma.local [spmem:s2], $0x2780  }
0x20: {  	s31 =	sadd.s32 $0x1, s31;
	_ =	swait.ge [sflag:s23], $0x2780  }
0x21: {  	p0 =	sne.s32 s31, s16;
	[sflag:s23] =	ssyncset.done $0x0  }
.Ltmp1:
0x22: {  	[sflag:s23] =	ssyncadd.s32 $0xFFFFD880;
	(pc) =	sbr.rel @!p0 .LBB2_10-.Ltmp1, $4  }
0x23: {  	[hbm4b:s15+s25] =	stream.strided.scatter [tilespmem:s28], [sflag:$0x4], $0x2780, s20, s25, $0x38;
	[tilespmem:$0x1F380] =	vst v63  }
0x24: {  	_ =	swait.ge [sflag:s23], $0x2780  }
0x25: {  	[sflag:s23] =	ssyncset.done $0x0  }
0x26: {  	[sflag:s23] =	ssyncadd.s32 $0xFFFFD880  }
.LBB2_1:
0x27: {  	s0 =	rddreg [dreg:$0x4]  }
0x28: {  	s5 =	rddreg [dreg:$0x5]  }
0x29: {  	[tilespmem:s4], [sflag:$0x3] =	stream.linear.gather [hbm4b:s0+s4], $0x400, $0x38;
	[tilespmem:$0x1F380] =	vst v63  }
0x2a: {  	s2 =	simm.s32 $0x800;
	s6 =	rddreg [dreg:$0x6];
	s17 =	sand.u32 $0xFE00, s4  }
0x2b: {  	[tilespmem:s2], [sflag:$0x3] =	stream.linear.gather [hbm4b:s5+s4], $0x400, $0x38;
	[tilespmem:$0x1F380] =	vst v63  }
0x2c: {  	s7 =	simm.s32 $0xC00;
	s18 =	sand.u32 $0x70, s4;
	s5 =	sshrl.u32 s17, $0x2  }
0x2d: {  	[tilespmem:s20], [sflag:$0x3] =	stream.linear.gather [hbm4b:s6+s4], $0x400, $0x38;
	[tilespmem:$0x1F380] =	vst v63  }
0x2e: {  	s0 =	simm.s32 $0x40;
	s2 =	simm.s32 $0x0;
	s5 =	sor.u32 s18, s5  }
0x2f: {  	[tilespmem:s7], [sflag:$0x3] =	stream.linear.gather [hbm4b:s8+s4], $0x400, $0x38;
	[tilespmem:$0x1F380] =	vst v63  }
.LBB2_2:
0x30: {  	p0 =	sne.s32 s0, $0xFFC0  }
0x31: {  	[tilespmem:s5+$0x1000] =	vst v0;
	s2 =	sadd.s32 $0x10, s2;
	s5 =	smov.u32 s0;
	s0 =	sadd.s32 $0x40, s0  }
.Ltmp2:
0x32: {  	(pc) =	sbr.rel @p0 .LBB2_2-.Ltmp2, $4  }
0x33: {  	_ = 	snop  }
0x34: {  	s5 =	sand.u32 $0xFE00, s5  }
0x35: {  	s6 =	sand.u32 $0x70, s2;
	s5 =	sshrl.u32 s5, $0x2  }
0x36: {  	s5 =	sor.u32 s6, s5  }
0x37: {  	[tilespmem:s5+$0x1000] =	vst v0  }
0x38: {  	[spmem:s9] =	stream.linear.scatter [tilespmem:s22], [sflag:$0x4], $0x4000, $0x38;
	[tilespmem:$0x1F380] =	vst v63  }
0x39: {  	_ =	swait.ge [sflag:s23], $0x4000  }
0x3a: {  	[sflag:s23] =	ssyncset.done $0x0  }
0x3b: {  	[sflag:s23] =	ssyncadd.s32 $0xFFFFC000  }
0x3c: {  	[spmem:s10] =	stream.linear.scatter [tilespmem:s22], [sflag:$0x4], $0x4000, $0x38;
	[tilespmem:$0x1F380] =	vst v63  }
0x3d: {  	_ =	swait.ge [sflag:s23], $0x4000  }
0x3e: {  	[sflag:s23] =	ssyncset.done $0x0  }
0x3f: {  	[sflag:s23] =	ssyncadd.s32 $0xFFFFC000  }
0x40: {  	[spmem:s11] =	stream.linear.scatter [tilespmem:s22], [sflag:$0x4], $0x4000, $0x38;
	[tilespmem:$0x1F380] =	vst v63  }
0x41: {  	_ =	swait.ge [sflag:s23], $0x4000  }
0x42: {  	[sflag:s23] =	ssyncset.done $0x0  }
0x43: {  	[sflag:s23] =	ssyncadd.s32 $0xFFFFC000  }
0x44: {  	[spmem:s12] =	stream.linear.scatter [tilespmem:s22], [sflag:$0x4], $0x4000, $0x38;
	[tilespmem:$0x1F380] =	vst v63  }
0x45: {  	_ =	swait.ge [sflag:s23], $0x4000  }
0x46: {  	[sflag:s23] =	ssyncset.done $0x0  }
0x47: {  	[sflag:s23] =	ssyncadd.s32 $0xFFFFC000  }
0x48: {  	[spmem:s13] =	stream.linear.scatter [tilespmem:s22], [sflag:$0x4], $0x3C00, $0x38;
	[tilespmem:$0x1F380] =	vst v63  }
0x49: {  	_ =	swait.ge [sflag:s23], $0x3C00  }
0x4a: {  	[sflag:s23] =	ssyncset.done $0x0  }
0x4b: {  	s0 =	simm.s32 $0x40;
	s2 =	simm.s32 $0x0;
	[sflag:s23] =	ssyncadd.s32 $0xFFFFC400  }
.LBB2_4:
0x4c: {  	p0 =	sne.s32 s0, $0x9DC0;
	[tilespmem:s2+$0x9000] =	vst v0;
	s2 =	smov.u32 s0;
	s0 =	sadd.s32 $0x40, s0  }
.Ltmp3:
0x4d: {  	(pc) =	sbr.rel @p0 .LBB2_4-.Ltmp3, $2  }
0x4e: {  	_ =	sdelay $0x2  }
0x4f: {  	s2 =	sshra.s32 s2, $0x2  }
0x50: {  	[tilespmem:s2+$0x9000] =	vst v0  }
0x51: {  	[bflag:$0x0] =	sbarrier.arrive $0xFFFF  }
0x52: {  	_ =	swait.ge [sflag:s24], $0x400  }
0x53: {  	[sflag:s24] =	ssyncset.done $0x0  }
0x54: {  	[sflag:s24] =	ssyncadd.s32 $0xFFFFFC00  }
0x55: {  	_ =	swait.ge [sflag:s24], $0x400  }
0x56: {  	[sflag:s24] =	ssyncset.done $0x0  }
0x57: {  	s2 =	simm.s32 $0x0;
	[sflag:s24] =	ssyncadd.s32 $0xFFFFFC00  }
0x58: {  	[tilespmem:s22], [sflag:$0x1] =	stream.indirect.gather [hbm4b:s1+s25], $0x80, s2, s25, $0xb8;
	[tilespmem:$0x1F380] =	vst v63  }
0x59: {  	s18 =	smov.u32 s19;
	s17 =	smov.u32 s21  }
0x5a: {  	[tilespmem:s26], [sflag:$0x2] =	stream.indirect.gather [hbm4b:s1+s25], $0x80, s25, s25, $0xb8;
	[tilespmem:$0x1F380] =	vst v63  }
.LBB2_6:
0x5b: {  	s5 =	sand.u32 $0x1, s2  }
0x5c: {  	s0 =	sshll.u32 s5, $0xC  }
0x5d: {  	s6 =	sshrl.u32 s0, $0x2  }
0x5e: {  	v2 =	vld [tilespmem:s6+$0x800];
	_ =	sdelay $0x7  }
0x5f: {  	[tilespmem:v2+s28+$0x0] =	vst.idx.add.f32.msk $0xffff, v1  }
0x60: {  	v2 =	vld [tilespmem:s6+$0x810];
	_ =	sdelay $0x7  }
0x61: {  	[tilespmem:v2+s28+$0x0] =	vst.idx.add.f32.msk $0xffff, v1  }
0x62: {  	v2 =	vld [tilespmem:s6+$0x820];
	_ =	sdelay $0x7  }
0x63: {  	[tilespmem:v2+s28+$0x0] =	vst.idx.add.f32.msk $0xffff, v1  }
0x64: {  	v2 =	vld [tilespmem:s6+$0x830];
	_ =	sdelay $0x7  }
0x65: {  	[tilespmem:v2+s28+$0x0] =	vst.idx.add.f32.msk $0xffff, v1  }
0x66: {  	v2 =	vld [tilespmem:s6+$0x840];
	_ =	sdelay $0x7  }
0x67: {  	[tilespmem:v2+s28+$0x0] =	vst.idx.add.f32.msk $0xffff, v1  }
0x68: {  	v2 =	vld [tilespmem:s6+$0x850];
	_ =	sdelay $0x7  }
0x69: {  	[tilespmem:v2+s28+$0x0] =	vst.idx.add.f32.msk $0xffff, v1  }
0x6a: {  	v2 =	vld [tilespmem:s6+$0x860];
	_ =	sdelay $0x7  }
0x6b: {  	[tilespmem:v2+s28+$0x0] =	vst.idx.add.f32.msk $0xffff, v1  }
0x6c: {  	v2 =	vld [tilespmem:s6+$0x870];
	_ =	sdelay $0x7  }
0x6d: {  	[tilespmem:v2+s28+$0x0] =	vst.idx.add.f32.msk $0xffff, v1  }
0x6e: {  	v2 =	vld [tilespmem:s6+$0x880];
	_ =	sdelay $0x7  }
0x6f: {  	[tilespmem:v2+s28+$0x0] =	vst.idx.add.f32.msk $0xffff, v1  }
0x70: {  	v2 =	vld [tilespmem:s6+$0x890];
	_ =	sdelay $0x7  }
0x71: {  	[tilespmem:v2+s28+$0x0] =	vst.idx.add.f32.msk $0xffff, v1  }
0x72: {  	v2 =	vld [tilespmem:s6+$0x8A0];
	_ =	sdelay $0x7  }
0x73: {  	[tilespmem:v2+s28+$0x0] =	vst.idx.add.f32.msk $0xffff, v1  }
0x74: {  	v2 =	vld [tilespmem:s6+$0x8B0];
	_ =	sdelay $0x7  }
0x75: {  	[tilespmem:v2+s28+$0x0] =	vst.idx.add.f32.msk $0xffff, v1  }
0x76: {  	v2 =	vld [tilespmem:s6+$0x8C0];
	_ =	sdelay $0x7  }
0x77: {  	[tilespmem:v2+s28+$0x0] =	vst.idx.add.f32.msk $0xffff, v1  }
0x78: {  	v2 =	vld [tilespmem:s6+$0x8D0];
	_ =	sdelay $0x7  }
0x79: {  	[tilespmem:v2+s28+$0x0] =	vst.idx.add.f32.msk $0xffff, v1  }
0x7a: {  	v2 =	vld [tilespmem:s6+$0x8E0];
	_ =	sdelay $0x7  }
0x7b: {  	[tilespmem:v2+s28+$0x0] =	vst.idx.add.f32.msk $0xffff, v1  }
0x7c: {  	v2 =	vld [tilespmem:s6+$0x8F0];
	_ =	sdelay $0x7  }
0x7d: {  	[tilespmem:v2+s28+$0x0] =	vst.idx.add.f32.msk $0xffff, v1  }
0x7e: {  	v2 =	vld [tilespmem:s6+$0x900];
	_ =	sdelay $0x7  }
0x7f: {  	[tilespmem:v2+s28+$0x0] =	vst.idx.add.f32.msk $0xffff, v1  }
0x80: {  	v2 =	vld [tilespmem:s6+$0x910];
	_ =	sdelay $0x7  }
0x81: {  	[tilespmem:v2+s28+$0x0] =	vst.idx.add.f32.msk $0xffff, v1  }
0x82: {  	v2 =	vld [tilespmem:s6+$0x920];
	_ =	sdelay $0x7  }
0x83: {  	[tilespmem:v2+s28+$0x0] =	vst.idx.add.f32.msk $0xffff, v1  }
0x84: {  	v2 =	vld [tilespmem:s6+$0x930];
	_ =	sdelay $0x7  }
0x85: {  	[tilespmem:v2+s28+$0x0] =	vst.idx.add.f32.msk $0xffff, v1  }
0x86: {  	v2 =	vld [tilespmem:s6+$0x940];
	_ =	sdelay $0x7  }
0x87: {  	[tilespmem:v2+s28+$0x0] =	vst.idx.add.f32.msk $0xffff, v1  }
0x88: {  	v2 =	vld [tilespmem:s6+$0x950];
	_ =	sdelay $0x7  }
0x89: {  	[tilespmem:v2+s28+$0x0] =	vst.idx.add.f32.msk $0xffff, v1  }
0x8a: {  	v2 =	vld [tilespmem:s6+$0x960];
	_ =	sdelay $0x7  }
0x8b: {  	[tilespmem:v2+s28+$0x0] =	vst.idx.add.f32.msk $0xffff, v1  }
0x8c: {  	v2 =	vld [tilespmem:s6+$0x970];
	_ =	sdelay $0x7  }
0x8d: {  	[tilespmem:v2+s28+$0x0] =	vst.idx.add.f32.msk $0xffff, v1  }
0x8e: {  	v2 =	vld [tilespmem:s6+$0x980];
	_ =	sdelay $0x7  }
0x8f: {  	[tilespmem:v2+s28+$0x0] =	vst.idx.add.f32.msk $0xffff, v1  }
0x90: {  	v2 =	vld [tilespmem:s6+$0x990];
	_ =	sdelay $0x7  }
0x91: {  	[tilespmem:v2+s28+$0x0] =	vst.idx.add.f32.msk $0xffff, v1  }
0x92: {  	v2 =	vld [tilespmem:s6+$0x9A0];
	_ =	sdelay $0x7  }
0x93: {  	[tilespmem:v2+s28+$0x0] =	vst.idx.add.f32.msk $0xffff, v1  }
0x94: {  	v2 =	vld [tilespmem:s6+$0x9B0];
	_ =	sdelay $0x7  }
0x95: {  	[tilespmem:v2+s28+$0x0] =	vst.idx.add.f32.msk $0xffff, v1  }
0x96: {  	v2 =	vld [tilespmem:s6+$0x9C0];
	_ =	sdelay $0x7  }
0x97: {  	[tilespmem:v2+s28+$0x0] =	vst.idx.add.f32.msk $0xffff, v1  }
0x98: {  	v2 =	vld [tilespmem:s6+$0x9D0];
	_ =	sdelay $0x7  }
0x99: {  	[tilespmem:v2+s28+$0x0] =	vst.idx.add.f32.msk $0xffff, v1  }
0x9a: {  	v2 =	vld [tilespmem:s6+$0x9E0];
	_ =	sdelay $0x7  }
0x9b: {  	[tilespmem:v2+s28+$0x0] =	vst.idx.add.f32.msk $0xffff, v1  }
0x9c: {  	v2 =	vld [tilespmem:s6+$0x9F0];
	_ =	sdelay $0x7  }
0x9d: {  	[tilespmem:v2+s28+$0x0] =	vst.idx.add.f32.msk $0xffff, v1  }
0x9e: {  	v2 =	vld [tilespmem:s6+$0xA00];
	_ =	sdelay $0x7  }
0x9f: {  	[tilespmem:v2+s28+$0x0] =	vst.idx.add.f32.msk $0xffff, v1  }
0xa0: {  	v2 =	vld [tilespmem:s6+$0xA10];
	_ =	sdelay $0x7  }
0xa1: {  	[tilespmem:v2+s28+$0x0] =	vst.idx.add.f32.msk $0xffff, v1  }
0xa2: {  	v2 =	vld [tilespmem:s6+$0xA20];
	_ =	sdelay $0x7  }
0xa3: {  	[tilespmem:v2+s28+$0x0] =	vst.idx.add.f32.msk $0xffff, v1  }
0xa4: {  	v2 =	vld [tilespmem:s6+$0xA30];
	_ =	sdelay $0x7  }
0xa5: {  	[tilespmem:v2+s28+$0x0] =	vst.idx.add.f32.msk $0xffff, v1  }
0xa6: {  	v2 =	vld [tilespmem:s6+$0xA40];
	_ =	sdelay $0x7  }
0xa7: {  	[tilespmem:v2+s28+$0x0] =	vst.idx.add.f32.msk $0xffff, v1  }
0xa8: {  	v2 =	vld [tilespmem:s6+$0xA50];
	_ =	sdelay $0x7  }
0xa9: {  	[tilespmem:v2+s28+$0x0] =	vst.idx.add.f32.msk $0xffff, v1  }
0xaa: {  	v2 =	vld [tilespmem:s6+$0xA60];
	_ =	sdelay $0x7  }
0xab: {  	[tilespmem:v2+s28+$0x0] =	vst.idx.add.f32.msk $0xffff, v1  }
0xac: {  	v2 =	vld [tilespmem:s6+$0xA70];
	_ =	sdelay $0x7  }
0xad: {  	[tilespmem:v2+s28+$0x0] =	vst.idx.add.f32.msk $0xffff, v1  }
0xae: {  	v2 =	vld [tilespmem:s6+$0xA80];
	_ =	sdelay $0x7  }
0xaf: {  	[tilespmem:v2+s28+$0x0] =	vst.idx.add.f32.msk $0xffff, v1  }
0xb0: {  	v2 =	vld [tilespmem:s6+$0xA90];
	_ =	sdelay $0x7  }
0xb1: {  	[tilespmem:v2+s28+$0x0] =	vst.idx.add.f32.msk $0xffff, v1  }
0xb2: {  	v2 =	vld [tilespmem:s6+$0xAA0];
	_ =	sdelay $0x7  }
0xb3: {  	[tilespmem:v2+s28+$0x0] =	vst.idx.add.f32.msk $0xffff, v1  }
0xb4: {  	v2 =	vld [tilespmem:s6+$0xAB0];
	_ =	sdelay $0x7  }
0xb5: {  	[tilespmem:v2+s28+$0x0] =	vst.idx.add.f32.msk $0xffff, v1  }
0xb6: {  	v2 =	vld [tilespmem:s6+$0xAC0];
	_ =	sdelay $0x7  }
0xb7: {  	[tilespmem:v2+s28+$0x0] =	vst.idx.add.f32.msk $0xffff, v1  }
0xb8: {  	v2 =	vld [tilespmem:s6+$0xAD0];
	_ =	sdelay $0x7  }
0xb9: {  	[tilespmem:v2+s28+$0x0] =	vst.idx.add.f32.msk $0xffff, v1  }
0xba: {  	v2 =	vld [tilespmem:s6+$0xAE0];
	_ =	sdelay $0x7  }
0xbb: {  	[tilespmem:v2+s28+$0x0] =	vst.idx.add.f32.msk $0xffff, v1  }
0xbc: {  	v2 =	vld [tilespmem:s6+$0xAF0];
	_ =	sdelay $0x7  }
0xbd: {  	[tilespmem:v2+s28+$0x0] =	vst.idx.add.f32.msk $0xffff, v1  }
0xbe: {  	v2 =	vld [tilespmem:s6+$0xB00];
	_ =	sdelay $0x7  }
0xbf: {  	[tilespmem:v2+s28+$0x0] =	vst.idx.add.f32.msk $0xffff, v1  }
0xc0: {  	v2 =	vld [tilespmem:s6+$0xB10];
	_ =	sdelay $0x7  }
0xc1: {  	[tilespmem:v2+s28+$0x0] =	vst.idx.add.f32.msk $0xffff, v1  }
0xc2: {  	v2 =	vld [tilespmem:s6+$0xB20];
	_ =	sdelay $0x7  }
0xc3: {  	[tilespmem:v2+s28+$0x0] =	vst.idx.add.f32.msk $0xffff, v1  }
0xc4: {  	v2 =	vld [tilespmem:s6+$0xB30];
	_ =	sdelay $0x7  }
0xc5: {  	[tilespmem:v2+s28+$0x0] =	vst.idx.add.f32.msk $0xffff, v1  }
0xc6: {  	v2 =	vld [tilespmem:s6+$0xB40];
	_ =	sdelay $0x7  }
0xc7: {  	[tilespmem:v2+s28+$0x0] =	vst.idx.add.f32.msk $0xffff, v1  }
0xc8: {  	v2 =	vld [tilespmem:s6+$0xB50];
	_ =	sdelay $0x7  }
0xc9: {  	[tilespmem:v2+s28+$0x0] =	vst.idx.add.f32.msk $0xffff, v1  }
0xca: {  	v2 =	vld [tilespmem:s6+$0xB60];
	_ =	sdelay $0x7  }
0xcb: {  	[tilespmem:v2+s28+$0x0] =	vst.idx.add.f32.msk $0xffff, v1  }
0xcc: {  	v2 =	vld [tilespmem:s6+$0xB70];
	_ =	sdelay $0x7  }
0xcd: {  	[tilespmem:v2+s28+$0x0] =	vst.idx.add.f32.msk $0xffff, v1  }
0xce: {  	v2 =	vld [tilespmem:s6+$0xB80];
	_ =	sdelay $0x7  }
0xcf: {  	[tilespmem:v2+s28+$0x0] =	vst.idx.add.f32.msk $0xffff, v1  }
0xd0: {  	v2 =	vld [tilespmem:s6+$0xB90];
	_ =	sdelay $0x7  }
0xd1: {  	[tilespmem:v2+s28+$0x0] =	vst.idx.add.f32.msk $0xffff, v1  }
0xd2: {  	v2 =	vld [tilespmem:s6+$0xBA0];
	_ =	sdelay $0x7  }
0xd3: {  	[tilespmem:v2+s28+$0x0] =	vst.idx.add.f32.msk $0xffff, v1  }
0xd4: {  	v2 =	vld [tilespmem:s6+$0xBB0];
	_ =	sdelay $0x7  }
0xd5: {  	[tilespmem:v2+s28+$0x0] =	vst.idx.add.f32.msk $0xffff, v1  }
0xd6: {  	v2 =	vld [tilespmem:s6+$0xBC0];
	_ =	sdelay $0x7  }
0xd7: {  	[tilespmem:v2+s28+$0x0] =	vst.idx.add.f32.msk $0xffff, v1  }
0xd8: {  	v2 =	vld [tilespmem:s6+$0xBD0];
	_ =	sdelay $0x7  }
0xd9: {  	[tilespmem:v2+s28+$0x0] =	vst.idx.add.f32.msk $0xffff, v1  }
0xda: {  	v2 =	vld [tilespmem:s6+$0xBE0];
	_ =	sdelay $0x7  }
0xdb: {  	[tilespmem:v2+s28+$0x0] =	vst.idx.add.f32.msk $0xffff, v1  }
0xdc: {  	v2 =	vld [tilespmem:s6+$0xBF0];
	_ =	sdelay $0x7  }
0xdd: {  	[tilespmem:v2+s28+$0x0] =	vst.idx.add.f32.msk $0xffff, v1  }
0xde: {  	_ =	swait.ge [sflag:s29], $0x4000  }
0xdf: {  	s5 =	sshll.u32 s5, $0xA;
	[sflag:s29] =	ssyncset.done $0x0  }
0xe0: {  	s6 =	sor.u32 $0x800, s5;
	[sflag:s29] =	ssyncadd.s32 $0xFFFFC000  }
0xe1: {  	[spmem:s3] =	stream.indirect.scatter.add.f32 [tilespmem:s22], [sflag:$0x4], $0x80, s6, s25, $0xb8;
	[tilespmem:$0x1F380] =	vst v63  }
0xe2: {  	_ =	swait.ge [sflag:s23], $0x4000  }
0xe3: {  	[sflag:s23] =	ssyncset.done $0x0  }
0xe4: {  	s7 =	sor.u32 $0x100, s5;
	[sflag:s23] =	ssyncadd.s32 $0xFFFFC000  }
0xe5: {  	[tilespmem:s22], [sflag:$0x1] =	stream.indirect.gather [hbm4b:s1+s25], $0x80, s7, s25, $0xb8;
	[tilespmem:$0x1F380] =	vst v63  }
0xe6: {  	_ =	swait.ge [sflag:s30], $0x4000  }
0xe7: {  	[sflag:s30] =	ssyncset.done $0x0  }
0xe8: {  	s7 =	sor.u32 $0x880, s5;
	[sflag:s30] =	ssyncadd.s32 $0xFFFFC000  }
0xe9: {  	[spmem:s3] =	stream.indirect.scatter.add.f32 [tilespmem:s26], [sflag:$0x4], $0x80, s7, s25, $0xb8;
	[tilespmem:$0x1F380] =	vst v63  }
0xea: {  	_ =	swait.ge [sflag:s23], $0x4000  }
0xeb: {  	[sflag:s23] =	ssyncset.done $0x0  }
0xec: {  	s7 =	sor.u32 $0x180, s5;
	[sflag:s23] =	ssyncadd.s32 $0xFFFFC000  }
0xed: {  	[tilespmem:s26], [sflag:$0x2] =	stream.indirect.gather [hbm4b:s1+s25], $0x80, s7, s25, $0xb8;
	[tilespmem:$0x1F380] =	vst v63  }
0xee: {  	_ =	swait.ge [sflag:s29], $0x4000  }
0xef: {  	[sflag:s29] =	ssyncset.done $0x0  }
0xf0: {  	s7 =	sor.u32 $0x900, s5;
	[sflag:s29] =	ssyncadd.s32 $0xFFFFC000  }
0xf1: {  	[spmem:s3] =	stream.indirect.scatter.add.f32 [tilespmem:s22], [sflag:$0x4], $0x80, s7, s25, $0xb8;
	[tilespmem:$0x1F380] =	vst v63  }
0xf2: {  	_ =	swait.ge [sflag:s23], $0x4000  }
0xf3: {  	[sflag:s23] =	ssyncset.done $0x0  }
0xf4: {  	s7 =	sor.u32 $0x200, s5;
	[sflag:s23] =	ssyncadd.s32 $0xFFFFC000  }
0xf5: {  	[tilespmem:s22], [sflag:$0x1] =	stream.indirect.gather [hbm4b:s1+s25], $0x80, s7, s25, $0xb8;
	[tilespmem:$0x1F380] =	vst v63  }
0xf6: {  	_ =	swait.ge [sflag:s30], $0x4000  }
0xf7: {  	[sflag:s30] =	ssyncset.done $0x0  }
0xf8: {  	s7 =	sor.u32 $0x980, s5;
	[sflag:s30] =	ssyncadd.s32 $0xFFFFC000  }
0xf9: {  	[spmem:s3] =	stream.indirect.scatter.add.f32 [tilespmem:s26], [sflag:$0x4], $0x80, s7, s25, $0xb8;
	[tilespmem:$0x1F380] =	vst v63  }
0xfa: {  	_ =	swait.ge [sflag:s23], $0x4000  }
0xfb: {  	[sflag:s23] =	ssyncset.done $0x0  }
0xfc: {  	s7 =	sor.u32 $0x280, s5;
	[sflag:s23] =	ssyncadd.s32 $0xFFFFC000  }
0xfd: {  	[tilespmem:s26], [sflag:$0x2] =	stream.indirect.gather [hbm4b:s1+s25], $0x80, s7, s25, $0xb8;
	[tilespmem:$0x1F380] =	vst v63  }
0xfe: {  	_ =	swait.ge [sflag:s29], $0x4000  }
0xff: {  	[sflag:s29] =	ssyncset.done $0x0  }
0x100: {  	s7 =	sor.u32 $0xA00, s5;
	[sflag:s29] =	ssyncadd.s32 $0xFFFFC000  }
0x101: {  	[spmem:s3] =	stream.indirect.scatter.add.f32 [tilespmem:s22], [sflag:$0x4], $0x80, s7, s25, $0xb8;
	[tilespmem:$0x1F380] =	vst v63  }
0x102: {  	_ =	swait.ge [sflag:s23], $0x4000  }
0x103: {  	[sflag:s23] =	ssyncset.done $0x0  }
0x104: {  	s7 =	sor.u32 $0x300, s5;
	[sflag:s23] =	ssyncadd.s32 $0xFFFFC000  }
0x105: {  	[tilespmem:s22], [sflag:$0x1] =	stream.indirect.gather [hbm4b:s1+s25], $0x80, s7, s25, $0xb8;
	[tilespmem:$0x1F380] =	vst v63  }
0x106: {  	_ =	swait.ge [sflag:s30], $0x4000  }
0x107: {  	[sflag:s30] =	ssyncset.done $0x0  }
0x108: {  	s7 =	sor.u32 $0xA80, s5;
	[sflag:s30] =	ssyncadd.s32 $0xFFFFC000  }
0x109: {  	[spmem:s3] =	stream.indirect.scatter.add.f32 [tilespmem:s26], [sflag:$0x4], $0x80, s7, s25, $0xb8;
	[tilespmem:$0x1F380] =	vst v63  }
0x10a: {  	_ =	swait.ge [sflag:s23], $0x4000  }
0x10b: {  	[sflag:s23] =	ssyncset.done $0x0  }
0x10c: {  	s7 =	sor.u32 $0x380, s5;
	[sflag:s23] =	ssyncadd.s32 $0xFFFFC000  }
0x10d: {  	[tilespmem:s26], [sflag:$0x2] =	stream.indirect.gather [hbm4b:s1+s25], $0x80, s7, s25, $0xb8;
	[tilespmem:$0x1F380] =	vst v63  }
0x10e: {  	_ =	swait.ge [sflag:s29], $0x4000  }
0x10f: {  	p0 =	sne.s32 s2, $0x9;
	[sflag:s29] =	ssyncset.done $0x0  }
.Ltmp4:
0x110: {  	s7 =	sor.u32 $0xB00, s5;
	[sflag:s29] =	ssyncadd.s32 $0xFFFFC000;
	(pc) =	sbr.rel @!p0 .LBB2_7-.Ltmp4, $4  }
0x111: {  	[spmem:s3] =	stream.indirect.scatter.add.f32 [tilespmem:s22], [sflag:$0x4], $0x80, s7, s25, $0xb8;
	[tilespmem:$0x1F380] =	vst v63  }
0x112: {  	_ =	swait.ge [sflag:s23], $0x4000  }
0x113: {  	[sflag:s23] =	ssyncset.done $0x0  }
0x114: {  	[sflag:s23] =	ssyncadd.s32 $0xFFFFC000  }
0x115: {  	_ =	swait.ge [sflag:s24], $0x400  }
0x116: {  	[sflag:s24] =	ssyncset.done $0x0  }
0x117: {  	[sflag:s24] =	ssyncadd.s32 $0xFFFFFC00  }
0x118: {  	_ =	swait.ge [sflag:s24], $0x400  }
0x119: {  	s0 =	sxor.u32 $0x1000, s0;
	[sflag:s24] =	ssyncset.done $0x0  }
0x11a: {  	s0 =	sshrl.u32 s0, $0x2;
	[sflag:s24] =	ssyncadd.s32 $0xFFFFFC00  }
0x11b: {  	[tilespmem:s22], [sflag:$0x1] =	stream.indirect.gather [hbm4b:s1+s25], $0x80, s0, s25, $0xb8;
	[tilespmem:$0x1F380] =	vst v63  }
0x11c: {  	_ =	swait.ge [sflag:s30], $0x4000  }
0x11d: {  	[sflag:s30] =	ssyncset.done $0x0  }
0x11e: {  	s7 =	sadd.s32 $0xB80, s5;
	[sflag:s30] =	ssyncadd.s32 $0xFFFFC000  }
0x11f: {  	[spmem:s3] =	stream.indirect.scatter.add.f32 [tilespmem:s26], [sflag:$0x4], $0x80, s7, s25, $0xb8;
	[tilespmem:$0x1F380] =	vst v63  }
0x120: {  	_ =	swait.ge [sflag:s23], $0x4000  }
0x121: {  	[sflag:s23] =	ssyncset.done $0x0  }
0x122: {  	p0 =	sgt.u32 s2, $0x7;
	s0 =	sadd.s32 $0x80, s0;
	[sflag:s23] =	ssyncadd.s32 $0xFFFFC000  }
0x123: {  	[tilespmem:s26], [sflag:$0x2] =	stream.indirect.gather [hbm4b:s1+s25], $0x80, s0, s25, $0xb8;
	[tilespmem:$0x1F380] =	vst v63  }
0x124: {  	s0 =	simm.s32 @!p0 $0x0  }
0x125: {  	[tilespmem:s5], [sflag:$0x3] =	stream.linear.gather @!p0 [hbm4b:s17+s0], $0x400, $0x38;
	[tilespmem:$0x1F380] =	vst v63  }
0x126: {  	s2 =	sadd.s32 $0x1, s2  }
0x127: {  	[tilespmem:s6], [sflag:$0x3] =	stream.linear.gather @!p0 [hbm4b:s18+s0], $0x400, $0x38;
	[tilespmem:$0x1F380] =	vst v63  }
0x128: {  	p0 =	sne.s32 s2, $0xA  }
.Ltmp5:
0x129: {  	_ = 	snop;
	(pc) =	sbr.rel @p0 .LBB2_6-.Ltmp5, $4  }
.Ltmp6:
0x12a: {  	_ = 	snop;
	(pc) =	sbr.rel @!p0 .LBB2_9-.Ltmp6, $4  }
0x12b: {  	_ = 	snop  }
0x12c: {  	_ = 	snop  }
0x12d: {  	s17 =	sadd.s32 $0x80, s17;
	s18 =	sadd.s32 $0x80, s18  }
0x12e: {  	_ = 	snop  }
.LBB2_10:
0x12f: {  	_ =	sfence.sel $0x180000  }
0x130: {  	[bflag:$0x0] =	sbarrier.arrive $0xFFFF  }
0x131: {  	_ =	strace $0x90000047  }
0x132: {  	s0 =	stileid.u32;
	[bflag:$0x2] =	sbarrier.arrive $0xFFFF  }
0x133: {  	p0 =	sne.s32 s0, $0x0;
	s0 =	rddreg [dreg:$0x3]  }
0x134: {  	s0 =	sadd.s32 @!p0 $0x100000, s0  }
0x135: {  	[sflag:s0] =	ssyncadd.tile.s32 @!p0 $0x1;
	_ =	shalt  }
.Lfunc_end2:
_tile_overlayer_lowered:
.L_overlay_start_2:
0x136: {  	(tag) =	ssettag $0x2  }
0x137: {  	s0 =	rddreg [dreg:$0x0];
	s2 =	stileid.u32  }
0x138: {  	s1 =	rddreg [dreg:$0x1];
	p0 =	sne.s32 s2, $0x0  }
0x139: {  	s3 =	rddreg [dreg:$0x2];
	[bflag:$0x3] =	sbarrier.arrive $0xFFFF;
	s2 =	simm.s32 @!p0 $0x1C04  }
0x13a: {  	[timem:s3], [sflag:s2] =	dma.local @!p0 [hbm:s0], s1  }
0x13b: {  	s0 =	simm.s32 @!p0 $0x4  }
0x13c: {  	_ =	swait.ge @!p0 [sflag:s0], s1  }
0x13d: {  	s1 =	ssub.s32 @!p0 $0x0, s1;
	[sflag:s0] =	ssyncset.done @!p0 $0x0  }
0x13e: {  	[sflag:s0] =	ssyncadd.s32 @!p0 s1  }
0x13f: {  	[bflag:$0x3] =	sbarrier.arrive $0xFFFF  }
0x140: {  	_ =	shalt  }

</sc_bundles>
